<compile_context>
chip_gen: v7x
topology: tpu7x:2x2x1
jax: 0.10.2.dev20260603
libtpu: 0.0.44.dev20260713+nightly
codegen_flags: <defaults>
</compile_context>

<pallas_src>
import functools

import jax
import jax.numpy as jnp
import numpy as np
from jax import lax
from jax.experimental import pallas as pl
from jax.experimental.pallas import tpu as pltpu
from jax.experimental.pallas import tpu_sc as plsc

_NUM_FIELDS = 26
_FIELD_DIM = 100000
_EMBED_DIM = 16
_BATCH = 4096

_NC, _NS, _L = 2, 16, 16
_NW = _NC * _NS
_B = _BATCH * _NUM_FIELDS
_BPW = _B // _NW
_CHUNK = 128
_NCHUNK = _BPW // _CHUNK
_NSLICE = _BPW // _L

_OFFS = np.asarray((np.arange(_BPW) % _NUM_FIELDS) * _FIELD_DIM, np.int32)

_mesh = plsc.VectorSubcoreMesh(
    core_axis_name="c", subcore_axis_name="s", num_cores=_NC, num_subcores=_NS
)


@functools.partial(
    pl.kernel,
    out_type=jax.ShapeDtypeStruct((_B, _EMBED_DIM), jnp.float32),
    mesh=_mesh,
    scratch_types=[
        pltpu.VMEM((_BPW,), jnp.int32),
        pltpu.VMEM((_BPW,), jnp.int32),
        pltpu.VMEM((_BPW, _EMBED_DIM), jnp.float32),
        pltpu.SemaphoreType.DMA,
    ],
    compiler_params=pltpu.CompilerParams(use_tc_tiling_on_sc=False),
)
def _embed_gather(x_hbm, offs_hbm, table_hbm, out_hbm, idx_v, offs_v, rows_v, sem):
    wid = lax.axis_index("s") * _NC + lax.axis_index("c")
    base = wid * _BPW

    pltpu.sync_copy(x_hbm.at[pl.ds(base, _BPW)], idx_v)
    pltpu.sync_copy(offs_hbm, offs_v)

    def add_offsets(i, _):
        s = i * _L
        idx_v[pl.ds(s, _L)] = idx_v[pl.ds(s, _L)] + offs_v[pl.ds(s, _L)]
        return 0

    lax.fori_loop(0, _NSLICE, add_offsets, 0)

    copies = [
        pltpu.async_copy(
            table_hbm.at[idx_v.at[pl.ds(j * _CHUNK, _CHUNK)]],
            rows_v.at[pl.ds(j * _CHUNK, _CHUNK)],
            sem,
        )
        for j in range(_NCHUNK)
    ]
    for cp in copies:
        cp.wait()

    pltpu.sync_copy(rows_v, out_hbm.at[pl.ds(base, _BPW)])


def kernel(x, table):
    x_flat = x.reshape(_B).astype(jnp.int32)
    out = _embed_gather(x_flat, jnp.asarray(_OFFS), table)
    return out.reshape(_BATCH, _NUM_FIELDS, _EMBED_DIM)

# --- scband reference (transcript-rebuilt; emitter-appended) ---
"""Pipeline reference for scband-features-embedding-59837484367926 (READ-ONLY COPY).

The authoritative reference and input builder live on the scoring server;
editing this copy changes nothing except your own understanding.
"""

import jax, jax.numpy as jnp
import numpy as np

NUM_FIELDS = 26
FIELD_DIM = 100000
EMBED_DIM = 16
TOTAL_ROWS = NUM_FIELDS * FIELD_DIM

def setup_inputs(seed: int = 0) -> dict:
    key = jax.random.key(seed)
    k1, k2 = jax.random.split(key)
    x = jax.random.randint(k1, (4096, NUM_FIELDS), 0, FIELD_DIM, dtype=jnp.int64 if jax.config.jax_enable_x64 else jnp.int32).astype(jnp.int32)
    # xavier_uniform for embedding weight: bound = sqrt(6/(fan_in+fan_out))
    bound = float(np.sqrt(6.0 / (TOTAL_ROWS + EMBED_DIM)))
    table = jax.random.uniform(k2, (TOTAL_ROWS, EMBED_DIM), minval=-bound, maxval=bound, dtype=jnp.float32)
    return {"x": x, "table": table}

def reference(x, table):
    field_dims = np.array([FIELD_DIM] * NUM_FIELDS)
    offsets = jnp.asarray(np.array((0, *np.cumsum(field_dims)[:-1])), dtype=x.dtype)
    idx = x + offsets[None, :]
    return jnp.take(table, idx, axis=0)

if __name__ == "__main__":
    import jax
    _d = setup_inputs()
    print(jax.jit(kernel)(*tuple(_d.values())))

</pallas_src>

<mosaic_0001>
#map = affine_map<(d0, d1) -> (0)>
#map1 = affine_map<(d0, d1) -> (0, 0)>
module attributes {stable_mosaic.version = 14 : i64} {
  func.func @_embed_gather(%arg0: i32, %arg1: i32, %arg2: memref<106496xi32, #tpu.memory_space<hbm>>, %arg3: memref<3328xi32, #tpu.memory_space<hbm>>, %arg4: memref<2600000x16xf32, #tpu.memory_space<hbm>>, %arg5: memref<106496x16xf32, #tpu.memory_space<hbm>>, %arg6: memref<3328xi32, #tpu.memory_space<vmem>>, %arg7: memref<3328xi32, #tpu.memory_space<vmem>>, %arg8: memref<3328x16xf32, #tpu.memory_space<vmem>>, %arg9: memref<!tpu.dma_semaphore, #tpu.memory_space<semaphore_mem>>) attributes {dimension_semantics = [#tpu.dimension_semantics<core_parallel>, #tpu.dimension_semantics<subcore_parallel>], iteration_bounds = array<i64: 2, 16>, scalar_prefetch = 0 : i64, scratch_operands = 4 : i64, tpu.core_type = #tpu.core_type<sc_vector_subcore>, window_params = [{transform_indices = #map}, {transform_indices = #map}, {transform_indices = #map1}, {transform_indices = #map1}]} {
    %mul3A = arith.constant 2 : i32
    %mul3A_0 = arith.muli %arg1, %mul3A : i32
    %add3A = arith.addi %mul3A_0, %arg0 : i32
    %mul3A_1 = arith.constant 3328 : i32
    %mul3A_2 = arith.muli %add3A, %mul3A_1 : i32
    "tpu.region"() ({
      %run_scoped3A = tpu.sem_alloc : memref<!tpu.dma_semaphore, #tpu.memory_space<semaphore_mem>>
      %dma_start3A_423 = tpu.memref_slice %arg2[%mul3A_2] : memref<106496xi32, #tpu.memory_space<hbm>> -> memref<3328xi32, #tpu.memory_space<hbm>>
      %dma_start3A_424 = tpu.memref_slice %arg2[%mul3A_2] : memref<106496xi32, #tpu.memory_space<hbm>> -> memref<3328xi32, #tpu.memory_space<hbm>>
      tpu.enqueue_dma source(%dma_start3A_424 : memref<3328xi32, #tpu.memory_space<hbm>>) target(%arg6 : memref<3328xi32, #tpu.memory_space<vmem>>) target_semaphore(%run_scoped3A : memref<!tpu.dma_semaphore, #tpu.memory_space<semaphore_mem>>)
      %dma_wait3A_425 = tpu.memref_slice %arg2[%mul3A_2] : memref<106496xi32, #tpu.memory_space<hbm>> -> memref<3328xi32, #tpu.memory_space<hbm>>
      %dma_wait3A_426 = tpu.memref_slice %arg2[%mul3A_2] : memref<106496xi32, #tpu.memory_space<hbm>> -> memref<3328xi32, #tpu.memory_space<hbm>>
      tpu.wait_dma2 semaphore(%run_scoped3A : memref<!tpu.dma_semaphore, #tpu.memory_space<semaphore_mem>>) src(%dma_wait3A_426 : memref<3328xi32, #tpu.memory_space<hbm>>) dst(%arg6 : memref<3328xi32, #tpu.memory_space<vmem>>)
      tpu.yield
    }) : () -> ()
    "tpu.region"() ({
      %run_scoped3A = tpu.sem_alloc : memref<!tpu.dma_semaphore, #tpu.memory_space<semaphore_mem>>
      tpu.enqueue_dma source(%arg3 : memref<3328xi32, #tpu.memory_space<hbm>>) target(%arg7 : memref<3328xi32, #tpu.memory_space<vmem>>) target_semaphore(%run_scoped3A : memref<!tpu.dma_semaphore, #tpu.memory_space<semaphore_mem>>)
      tpu.wait_dma2 semaphore(%run_scoped3A : memref<!tpu.dma_semaphore, #tpu.memory_space<semaphore_mem>>) src(%arg3 : memref<3328xi32, #tpu.memory_space<hbm>>) dst(%arg7 : memref<3328xi32, #tpu.memory_space<vmem>>)
      tpu.yield
    }) : () -> ()
    %scan3A = arith.constant 0 : i32
    %scan3A_3 = arith.constant 0 : i32
    %scan3A_4 = arith.constant 208 : i32
    %scan3A_5 = arith.addi %scan3A_3, %scan3A_4 : i32
    %scan3A_6 = arith.constant 1 : i32
    %scan3A_7 = scf.for %scan3A_423 = %scan3A_3 to %scan3A_5 step %scan3A_6 iter_args(%scan3A_424 = %scan3A) -> (i32)  : i32 {
      %mul3A_425 = arith.constant 16 : i32
      %mul3A_426 = arith.muli %scan3A_423, %mul3A_425 : i32
      %get3A = arith.index_cast %mul3A_426 : i32 to index
      %get3A_427 = tpu.vector_load %arg6[%get3A] {strides = array<i32>} : memref<3328xi32, #tpu.memory_space<vmem>>, vector<16xi32>,
      %get3A_428 = vector.shape_cast %get3A_427 : vector<16xi32> to vector<16xi32>
      %get3A_429 = arith.index_cast %mul3A_426 : i32 to index
      %get3A_430 = tpu.vector_load %arg7[%get3A_429] {strides = array<i32>} : memref<3328xi32, #tpu.memory_space<vmem>>, vector<16xi32>,
      %get3A_431 = vector.shape_cast %get3A_430 : vector<16xi32> to vector<16xi32>
      %add3A_432 = arith.addi %get3A_428, %get3A_431 : vector<16xi32>
      %swap3A = arith.index_cast %mul3A_426 : i32 to index
      %swap3A_433 = tpu.vector_load %arg6[%swap3A] {strides = array<i32>} : memref<3328xi32, #tpu.memory_space<vmem>>, vector<16xi32>,
      %swap3A_434 = vector.shape_cast %swap3A_433 : vector<16xi32> to vector<16xi32>
      %swap3A_435 = vector.shape_cast %add3A_432 : vector<16xi32> to vector<16xi32>
      tpu.vector_store %arg6[%swap3A], %swap3A_435 {strides = array<i32>} : memref<3328xi32, #tpu.memory_space<vmem>>, vector<16xi32>,
      %scan3A_436 = arith.constant 0 : i32
      scf.yield %scan3A_436 : i32
    }
    %scan3A_8 = arith.constant 208 : i32
    %dma_start3A = arith.constant 0 : i32
    %dma_start3A_9 = arith.constant 0 : i32
    %dma_start3A_10 = tpu.memref_slice %arg8[%dma_start3A, %dma_start3A_9] : memref<3328x16xf32, #tpu.memory_space<vmem>> -> memref<128x16xf32, #tpu.memory_space<vmem>>
    %dma_start3A_11 = arith.constant 0 : i32
    %dma_start3A_12 = tpu.memref_slice %arg6[%dma_start3A_11] : memref<3328xi32, #tpu.memory_space<vmem>> -> memref<128xi32, #tpu.memory_space<vmem>>
    %dma_start3A_13 = arith.constant 0 : i32
    %dma_start3A_14 = arith.constant 0 : i32
    %dma_start3A_15 = tpu.memref_slice %arg4[%dma_start3A_13, %dma_start3A_14] : memref<2600000x16xf32, #tpu.memory_space<hbm>> -> memref<2600000x16xf32, #tpu.memory_space<hbm>>
    tpu.enqueue_indirect_dma source(%dma_start3A_15 : memref<2600000x16xf32, #tpu.memory_space<hbm>>) target(%dma_start3A_10 : memref<128x16xf32, #tpu.memory_space<vmem>>) offsets(%dma_start3A_12 : memref<128xi32, #tpu.memory_space<vmem>>) semaphore(%arg9 : memref<!tpu.dma_semaphore, #tpu.memory_space<semaphore_mem>>)
    %dma_start3A_16 = arith.constant 128 : i32
    %dma_start3A_17 = arith.constant 0 : i32
    %dma_start3A_18 = tpu.memref_slice %arg8[%dma_start3A_16, %dma_start3A_17] : memref<3328x16xf32, #tpu.memory_space<vmem>> -> memref<128x16xf32, #tpu.memory_space<vmem>>
    %dma_start3A_19 = arith.constant 128 : i32
    %dma_start3A_20 = tpu.memref_slice %arg6[%dma_start3A_19] : memref<3328xi32, #tpu.memory_space<vmem>> -> memref<128xi32, #tpu.memory_space<vmem>>
    %dma_start3A_21 = arith.constant 0 : i32
    %dma_start3A_22 = arith.constant 0 : i32
    %dma_start3A_23 = tpu.memref_slice %arg4[%dma_start3A_21, %dma_start3A_22] : memref<2600000x16xf32, #tpu.memory_space<hbm>> -> memref<2600000x16xf32, #tpu.memory_space<hbm>>
    tpu.enqueue_indirect_dma source(%dma_start3A_23 : memref<2600000x16xf32, #tpu.memory_space<hbm>>) target(%dma_start3A_18 : memref<128x16xf32, #tpu.memory_space<vmem>>) offsets(%dma_start3A_20 : memref<128xi32, #tpu.memory_space<vmem>>) semaphore(%arg9 : memref<!tpu.dma_semaphore, #tpu.memory_space<semaphore_mem>>)
    %dma_start3A_24 = arith.constant 256 : i32
    %dma_start3A_25 = arith.constant 0 : i32
    %dma_start3A_26 = tpu.memref_slice %arg8[%dma_start3A_24, %dma_start3A_25] : memref<3328x16xf32, #tpu.memory_space<vmem>> -> memref<128x16xf32, #tpu.memory_space<vmem>>
    %dma_start3A_27 = arith.constant 256 : i32
    %dma_start3A_28 = tpu.memref_slice %arg6[%dma_start3A_27] : memref<3328xi32, #tpu.memory_space<vmem>> -> memref<128xi32, #tpu.memory_space<vmem>>
    %dma_start3A_29 = arith.constant 0 : i32
    %dma_start3A_30 = arith.constant 0 : i32
    %dma_start3A_31 = tpu.memref_slice %arg4[%dma_start3A_29, %dma_start3A_30] : memref<2600000x16xf32, #tpu.memory_space<hbm>> -> memref<2600000x16xf32, #tpu.memory_space<hbm>>
    tpu.enqueue_indirect_dma source(%dma_start3A_31 : memref<2600000x16xf32, #tpu.memory_space<hbm>>) target(%dma_start3A_26 : memref<128x16xf32, #tpu.memory_space<vmem>>) offsets(%dma_start3A_28 : memref<128xi32, #tpu.memory_space<vmem>>) semaphore(%arg9 : memref<!tpu.dma_semaphore, #tpu.memory_space<semaphore_mem>>)
    %dma_start3A_32 = arith.constant 384 : i32
    %dma_start3A_33 = arith.constant 0 : i32
    %dma_start3A_34 = tpu.memref_slice %arg8[%dma_start3A_32, %dma_start3A_33] : memref<3328x16xf32, #tpu.memory_space<vmem>> -> memref<128x16xf32, #tpu.memory_space<vmem>>
    %dma_start3A_35 = arith.constant 384 : i32
    %dma_start3A_36 = tpu.memref_slice %arg6[%dma_start3A_35] : memref<3328xi32, #tpu.memory_space<vmem>> -> memref<128xi32, #tpu.memory_space<vmem>>
    %dma_start3A_37 = arith.constant 0 : i32
    %dma_start3A_38 = arith.constant 0 : i32
    %dma_start3A_39 = tpu.memref_slice %arg4[%dma_start3A_37, %dma_start3A_38] : memref<2600000x16xf32, #tpu.memory_space<hbm>> -> memref<2600000x16xf32, #tpu.memory_space<hbm>>
    tpu.enqueue_indirect_dma source(%dma_start3A_39 : memref<2600000x16xf32, #tpu.memory_space<hbm>>) target(%dma_start3A_34 : memref<128x16xf32, #tpu.memory_space<vmem>>) offsets(%dma_start3A_36 : memref<128xi32, #tpu.memory_space<vmem>>) semaphore(%arg9 : memref<!tpu.dma_semaphore, #tpu.memory_space<semaphore_mem>>)
    %dma_start3A_40 = arith.constant 512 : i32
    %dma_start3A_41 = arith.constant 0 : i32
    %dma_start3A_42 = tpu.memref_slice %arg8[%dma_start3A_40, %dma_start3A_41] : memref<3328x16xf32, #tpu.memory_space<vmem>> -> memref<128x16xf32, #tpu.memory_space<vmem>>
    %dma_start3A_43 = arith.constant 512 : i32
    %dma_start3A_44 = tpu.memref_slice %arg6[%dma_start3A_43] : memref<3328xi32, #tpu.memory_space<vmem>> -> memref<128xi32, #tpu.memory_space<vmem>>
    %dma_start3A_45 = arith.constant 0 : i32
    %dma_start3A_46 = arith.constant 0 : i32
    %dma_start3A_47 = tpu.memref_slice %arg4[%dma_start3A_45, %dma_start3A_46] : memref<2600000x16xf32, #tpu.memory_space<hbm>> -> memref<2600000x16xf32, #tpu.memory_space<hbm>>
    tpu.enqueue_indirect_dma source(%dma_start3A_47 : memref<2600000x16xf32, #tpu.memory_space<hbm>>) target(%dma_start3A_42 : memref<128x16xf32, #tpu.memory_space<vmem>>) offsets(%dma_start3A_44 : memref<128xi32, #tpu.memory_space<vmem>>) semaphore(%arg9 : memref<!tpu.dma_semaphore, #tpu.memory_space<semaphore_mem>>)
    %dma_start3A_48 = arith.constant 640 : i32
    %dma_start3A_49 = arith.constant 0 : i32
    %dma_start3A_50 = tpu.memref_slice %arg8[%dma_start3A_48, %dma_start3A_49] : memref<3328x16xf32, #tpu.memory_space<vmem>> -> memref<128x16xf32, #tpu.memory_space<vmem>>
    %dma_start3A_51 = arith.constant 640 : i32
    %dma_start3A_52 = tpu.memref_slice %arg6[%dma_start3A_51] : memref<3328xi32, #tpu.memory_space<vmem>> -> memref<128xi32, #tpu.memory_space<vmem>>
    %dma_start3A_53 = arith.constant 0 : i32
    %dma_start3A_54 = arith.constant 0 : i32
    %dma_start3A_55 = tpu.memref_slice %arg4[%dma_start3A_53, %dma_start3A_54] : memref<2600000x16xf32, #tpu.memory_space<hbm>> -> memref<2600000x16xf32, #tpu.memory_space<hbm>>
    tpu.enqueue_indirect_dma source(%dma_start3A_55 : memref<2600000x16xf32, #tpu.memory_space<hbm>>) target(%dma_start3A_50 : memref<128x16xf32, #tpu.memory_space<vmem>>) offsets(%dma_start3A_52 : memref<128xi32, #tpu.memory_space<vmem>>) semaphore(%arg9 : memref<!tpu.dma_semaphore, #tpu.memory_space<semaphore_mem>>)
    %dma_start3A_56 = arith.constant 768 : i32
    %dma_start3A_57 = arith.constant 0 : i32
    %dma_start3A_58 = tpu.memref_slice %arg8[%dma_start3A_56, %dma_start3A_57] : memref<3328x16xf32, #tpu.memory_space<vmem>> -> memref<128x16xf32, #tpu.memory_space<vmem>>
    %dma_start3A_59 = arith.constant 768 : i32
    %dma_start3A_60 = tpu.memref_slice %arg6[%dma_start3A_59] : memref<3328xi32, #tpu.memory_space<vmem>> -> memref<128xi32, #tpu.memory_space<vmem>>
    %dma_start3A_61 = arith.constant 0 : i32
    %dma_start3A_62 = arith.constant 0 : i32
    %dma_start3A_63 = tpu.memref_slice %arg4[%dma_start3A_61, %dma_start3A_62] : memref<2600000x16xf32, #tpu.memory_space<hbm>> -> memref<2600000x16xf32, #tpu.memory_space<hbm>>
    tpu.enqueue_indirect_dma source(%dma_start3A_63 : memref<2600000x16xf32, #tpu.memory_space<hbm>>) target(%dma_start3A_58 : memref<128x16xf32, #tpu.memory_space<vmem>>) offsets(%dma_start3A_60 : memref<128xi32, #tpu.memory_space<vmem>>) semaphore(%arg9 : memref<!tpu.dma_semaphore, #tpu.memory_space<semaphore_mem>>)
    %dma_start3A_64 = arith.constant 896 : i32
    %dma_start3A_65 = arith.constant 0 : i32
    %dma_start3A_66 = tpu.memref_slice %arg8[%dma_start3A_64, %dma_start3A_65] : memref<3328x16xf32, #tpu.memory_space<vmem>> -> memref<128x16xf32, #tpu.memory_space<vmem>>
    %dma_start3A_67 = arith.constant 896 : i32
    %dma_start3A_68 = tpu.memref_slice %arg6[%dma_start3A_67] : memref<3328xi32, #tpu.memory_space<vmem>> -> memref<128xi32, #tpu.memory_space<vmem>>
    %dma_start3A_69 = arith.constant 0 : i32
    %dma_start3A_70 = arith.constant 0 : i32
    %dma_start3A_71 = tpu.memref_slice %arg4[%dma_start3A_69, %dma_start3A_70] : memref<2600000x16xf32, #tpu.memory_space<hbm>> -> memref<2600000x16xf32, #tpu.memory_space<hbm>>
    tpu.enqueue_indirect_dma source(%dma_start3A_71 : memref<2600000x16xf32, #tpu.memory_space<hbm>>) target(%dma_start3A_66 : memref<128x16xf32, #tpu.memory_space<vmem>>) offsets(%dma_start3A_68 : memref<128xi32, #tpu.memory_space<vmem>>) semaphore(%arg9 : memref<!tpu.dma_semaphore, #tpu.memory_space<semaphore_mem>>)
    %dma_start3A_72 = arith.constant 1024 : i32
    %dma_start3A_73 = arith.constant 0 : i32
    %dma_start3A_74 = tpu.memref_slice %arg8[%dma_start3A_72, %dma_start3A_73] : memref<3328x16xf32, #tpu.memory_space<vmem>> -> memref<128x16xf32, #tpu.memory_space<vmem>>
    %dma_start3A_75 = arith.constant 1024 : i32
    %dma_start3A_76 = tpu.memref_slice %arg6[%dma_start3A_75] : memref<3328xi32, #tpu.memory_space<vmem>> -> memref<128xi32, #tpu.memory_space<vmem>>
    %dma_start3A_77 = arith.constant 0 : i32
    %dma_start3A_78 = arith.constant 0 : i32
    %dma_start3A_79 = tpu.memref_slice %arg4[%dma_start3A_77, %dma_start3A_78] : memref<2600000x16xf32, #tpu.memory_space<hbm>> -> memref<2600000x16xf32, #tpu.memory_space<hbm>>
    tpu.enqueue_indirect_dma source(%dma_start3A_79 : memref<2600000x16xf32, #tpu.memory_space<hbm>>) target(%dma_start3A_74 : memref<128x16xf32, #tpu.memory_space<vmem>>) offsets(%dma_start3A_76 : memref<128xi32, #tpu.memory_space<vmem>>) semaphore(%arg9 : memref<!tpu.dma_semaphore, #tpu.memory_space<semaphore_mem>>)
    %dma_start3A_80 = arith.constant 1152 : i32
    %dma_start3A_81 = arith.constant 0 : i32
    %dma_start3A_82 = tpu.memref_slice %arg8[%dma_start3A_80, %dma_start3A_81] : memref<3328x16xf32, #tpu.memory_space<vmem>> -> memref<128x16xf32, #tpu.memory_space<vmem>>
    %dma_start3A_83 = arith.constant 1152 : i32
    %dma_start3A_84 = tpu.memref_slice %arg6[%dma_start3A_83] : memref<3328xi32, #tpu.memory_space<vmem>> -> memref<128xi32, #tpu.memory_space<vmem>>
    %dma_start3A_85 = arith.constant 0 : i32
    %dma_start3A_86 = arith.constant 0 : i32
    %dma_start3A_87 = tpu.memref_slice %arg4[%dma_start3A_85, %dma_start3A_86] : memref<2600000x16xf32, #tpu.memory_space<hbm>> -> memref<2600000x16xf32, #tpu.memory_space<hbm>>
    tpu.enqueue_indirect_dma source(%dma_start3A_87 : memref<2600000x16xf32, #tpu.memory_space<hbm>>) target(%dma_start3A_82 : memref<128x16xf32, #tpu.memory_space<vmem>>) offsets(%dma_start3A_84 : memref<128xi32, #tpu.memory_space<vmem>>) semaphore(%arg9 : memref<!tpu.dma_semaphore, #tpu.memory_space<semaphore_mem>>)
    %dma_start3A_88 = arith.constant 1280 : i32
    %dma_start3A_89 = arith.constant 0 : i32
    %dma_start3A_90 = tpu.memref_slice %arg8[%dma_start3A_88, %dma_start3A_89] : memref<3328x16xf32, #tpu.memory_space<vmem>> -> memref<128x16xf32, #tpu.memory_space<vmem>>
    %dma_start3A_91 = arith.constant 1280 : i32
    %dma_start3A_92 = tpu.memref_slice %arg6[%dma_start3A_91] : memref<3328xi32, #tpu.memory_space<vmem>> -> memref<128xi32, #tpu.memory_space<vmem>>
    %dma_start3A_93 = arith.constant 0 : i32
    %dma_start3A_94 = arith.constant 0 : i32
    %dma_start3A_95 = tpu.memref_slice %arg4[%dma_start3A_93, %dma_start3A_94] : memref<2600000x16xf32, #tpu.memory_space<hbm>> -> memref<2600000x16xf32, #tpu.memory_space<hbm>>
    tpu.enqueue_indirect_dma source(%dma_start3A_95 : memref<2600000x16xf32, #tpu.memory_space<hbm>>) target(%dma_start3A_90 : memref<128x16xf32, #tpu.memory_space<vmem>>) offsets(%dma_start3A_92 : memref<128xi32, #tpu.memory_space<vmem>>) semaphore(%arg9 : memref<!tpu.dma_semaphore, #tpu.memory_space<semaphore_mem>>)
    %dma_start3A_96 = arith.constant 1408 : i32
    %dma_start3A_97 = arith.constant 0 : i32
    %dma_start3A_98 = tpu.memref_slice %arg8[%dma_start3A_96, %dma_start3A_97] : memref<3328x16xf32, #tpu.memory_space<vmem>> -> memref<128x16xf32, #tpu.memory_space<vmem>>
    %dma_start3A_99 = arith.constant 1408 : i32
    %dma_start3A_100 = tpu.memref_slice %arg6[%dma_start3A_99] : memref<3328xi32, #tpu.memory_space<vmem>> -> memref<128xi32, #tpu.memory_space<vmem>>
    %dma_start3A_101 = arith.constant 0 : i32
    %dma_start3A_102 = arith.constant 0 : i32
    %dma_start3A_103 = tpu.memref_slice %arg4[%dma_start3A_101, %dma_start3A_102] : memref<2600000x16xf32, #tpu.memory_space<hbm>> -> memref<2600000x16xf32, #tpu.memory_space<hbm>>
    tpu.enqueue_indirect_dma source(%dma_start3A_103 : memref<2600000x16xf32, #tpu.memory_space<hbm>>) target(%dma_start3A_98 : memref<128x16xf32, #tpu.memory_space<vmem>>) offsets(%dma_start3A_100 : memref<128xi32, #tpu.memory_space<vmem>>) semaphore(%arg9 : memref<!tpu.dma_semaphore, #tpu.memory_space<semaphore_mem>>)
    %dma_start3A_104 = arith.constant 1536 : i32
    %dma_start3A_105 = arith.constant 0 : i32
    %dma_start3A_106 = tpu.memref_slice %arg8[%dma_start3A_104, %dma_start3A_105] : memref<3328x16xf32, #tpu.memory_space<vmem>> -> memref<128x16xf32, #tpu.memory_space<vmem>>
    %dma_start3A_107 = arith.constant 1536 : i32
    %dma_start3A_108 = tpu.memref_slice %arg6[%dma_start3A_107] : memref<3328xi32, #tpu.memory_space<vmem>> -> memref<128xi32, #tpu.memory_space<vmem>>
    %dma_start3A_109 = arith.constant 0 : i32
    %dma_start3A_110 = arith.constant 0 : i32
    %dma_start3A_111 = tpu.memref_slice %arg4[%dma_start3A_109, %dma_start3A_110] : memref<2600000x16xf32, #tpu.memory_space<hbm>> -> memref<2600000x16xf32, #tpu.memory_space<hbm>>
    tpu.enqueue_indirect_dma source(%dma_start3A_111 : memref<2600000x16xf32, #tpu.memory_space<hbm>>) target(%dma_start3A_106 : memref<128x16xf32, #tpu.memory_space<vmem>>) offsets(%dma_start3A_108 : memref<128xi32, #tpu.memory_space<vmem>>) semaphore(%arg9 : memref<!tpu.dma_semaphore, #tpu.memory_space<semaphore_mem>>)
    %dma_start3A_112 = arith.constant 1664 : i32
    %dma_start3A_113 = arith.constant 0 : i32
    %dma_start3A_114 = tpu.memref_slice %arg8[%dma_start3A_112, %dma_start3A_113] : memref<3328x16xf32, #tpu.memory_space<vmem>> -> memref<128x16xf32, #tpu.memory_space<vmem>>
    %dma_start3A_115 = arith.constant 1664 : i32
    %dma_start3A_116 = tpu.memref_slice %arg6[%dma_start3A_115] : memref<3328xi32, #tpu.memory_space<vmem>> -> memref<128xi32, #tpu.memory_space<vmem>>
    %dma_start3A_117 = arith.constant 0 : i32
    %dma_start3A_118 = arith.constant 0 : i32
    %dma_start3A_119 = tpu.memref_slice %arg4[%dma_start3A_117, %dma_start3A_118] : memref<2600000x16xf32, #tpu.memory_space<hbm>> -> memref<2600000x16xf32, #tpu.memory_space<hbm>>
    tpu.enqueue_indirect_dma source(%dma_start3A_119 : memref<2600000x16xf32, #tpu.memory_space<hbm>>) target(%dma_start3A_114 : memref<128x16xf32, #tpu.memory_space<vmem>>) offsets(%dma_start3A_116 : memref<128xi32, #tpu.memory_space<vmem>>) semaphore(%arg9 : memref<!tpu.dma_semaphore, #tpu.memory_space<semaphore_mem>>)
    %dma_start3A_120 = arith.constant 1792 : i32
    %dma_start3A_121 = arith.constant 0 : i32
    %dma_start3A_122 = tpu.memref_slice %arg8[%dma_start3A_120, %dma_start3A_121] : memref<3328x16xf32, #tpu.memory_space<vmem>> -> memref<128x16xf32, #tpu.memory_space<vmem>>
    %dma_start3A_123 = arith.constant 1792 : i32
    %dma_start3A_124 = tpu.memref_slice %arg6[%dma_start3A_123] : memref<3328xi32, #tpu.memory_space<vmem>> -> memref<128xi32, #tpu.memory_space<vmem>>
    %dma_start3A_125 = arith.constant 0 : i32
    %dma_start3A_126 = arith.constant 0 : i32
    %dma_start3A_127 = tpu.memref_slice %arg4[%dma_start3A_125, %dma_start3A_126] : memref<2600000x16xf32, #tpu.memory_space<hbm>> -> memref<2600000x16xf32, #tpu.memory_space<hbm>>
    tpu.enqueue_indirect_dma source(%dma_start3A_127 : memref<2600000x16xf32, #tpu.memory_space<hbm>>) target(%dma_start3A_122 : memref<128x16xf32, #tpu.memory_space<vmem>>) offsets(%dma_start3A_124 : memref<128xi32, #tpu.memory_space<vmem>>) semaphore(%arg9 : memref<!tpu.dma_semaphore, #tpu.memory_space<semaphore_mem>>)
    %dma_start3A_128 = arith.constant 1920 : i32
    %dma_start3A_129 = arith.constant 0 : i32
    %dma_start3A_130 = tpu.memref_slice %arg8[%dma_start3A_128, %dma_start3A_129] : memref<3328x16xf32, #tpu.memory_space<vmem>> -> memref<128x16xf32, #tpu.memory_space<vmem>>
    %dma_start3A_131 = arith.constant 1920 : i32
    %dma_start3A_132 = tpu.memref_slice %arg6[%dma_start3A_131] : memref<3328xi32, #tpu.memory_space<vmem>> -> memref<128xi32, #tpu.memory_space<vmem>>
    %dma_start3A_133 = arith.constant 0 : i32
    %dma_start3A_134 = arith.constant 0 : i32
    %dma_start3A_135 = tpu.memref_slice %arg4[%dma_start3A_133, %dma_start3A_134] : memref<2600000x16xf32, #tpu.memory_space<hbm>> -> memref<2600000x16xf32, #tpu.memory_space<hbm>>
    tpu.enqueue_indirect_dma source(%dma_start3A_135 : memref<2600000x16xf32, #tpu.memory_space<hbm>>) target(%dma_start3A_130 : memref<128x16xf32, #tpu.memory_space<vmem>>) offsets(%dma_start3A_132 : memref<128xi32, #tpu.memory_space<vmem>>) semaphore(%arg9 : memref<!tpu.dma_semaphore, #tpu.memory_space<semaphore_mem>>)
    %dma_start3A_136 = arith.constant 2048 : i32
    %dma_start3A_137 = arith.constant 0 : i32
    %dma_start3A_138 = tpu.memref_slice %arg8[%dma_start3A_136, %dma_start3A_137] : memref<3328x16xf32, #tpu.memory_space<vmem>> -> memref<128x16xf32, #tpu.memory_space<vmem>>
    %dma_start3A_139 = arith.constant 2048 : i32
    %dma_start3A_140 = tpu.memref_slice %arg6[%dma_start3A_139] : memref<3328xi32, #tpu.memory_space<vmem>> -> memref<128xi32, #tpu.memory_space<vmem>>
    %dma_start3A_141 = arith.constant 0 : i32
    %dma_start3A_142 = arith.constant 0 : i32
    %dma_start3A_143 = tpu.memref_slice %arg4[%dma_start3A_141, %dma_start3A_142] : memref<2600000x16xf32, #tpu.memory_space<hbm>> -> memref<2600000x16xf32, #tpu.memory_space<hbm>>
    tpu.enqueue_indirect_dma source(%dma_start3A_143 : memref<2600000x16xf32, #tpu.memory_space<hbm>>) target(%dma_start3A_138 : memref<128x16xf32, #tpu.memory_space<vmem>>) offsets(%dma_start3A_140 : memref<128xi32, #tpu.memory_space<vmem>>) semaphore(%arg9 : memref<!tpu.dma_semaphore, #tpu.memory_space<semaphore_mem>>)
    %dma_start3A_144 = arith.constant 2176 : i32
    %dma_start3A_145 = arith.constant 0 : i32
    %dma_start3A_146 = tpu.memref_slice %arg8[%dma_start3A_144, %dma_start3A_145] : memref<3328x16xf32, #tpu.memory_space<vmem>> -> memref<128x16xf32, #tpu.memory_space<vmem>>
    %dma_start3A_147 = arith.constant 2176 : i32
    %dma_start3A_148 = tpu.memref_slice %arg6[%dma_start3A_147] : memref<3328xi32, #tpu.memory_space<vmem>> -> memref<128xi32, #tpu.memory_space<vmem>>
    %dma_start3A_149 = arith.constant 0 : i32
    %dma_start3A_150 = arith.constant 0 : i32
    %dma_start3A_151 = tpu.memref_slice %arg4[%dma_start3A_149, %dma_start3A_150] : memref<2600000x16xf32, #tpu.memory_space<hbm>> -> memref<2600000x16xf32, #tpu.memory_space<hbm>>
    tpu.enqueue_indirect_dma source(%dma_start3A_151 : memref<2600000x16xf32, #tpu.memory_space<hbm>>) target(%dma_start3A_146 : memref<128x16xf32, #tpu.memory_space<vmem>>) offsets(%dma_start3A_148 : memref<128xi32, #tpu.memory_space<vmem>>) semaphore(%arg9 : memref<!tpu.dma_semaphore, #tpu.memory_space<semaphore_mem>>)
    %dma_start3A_152 = arith.constant 2304 : i32
    %dma_start3A_153 = arith.constant 0 : i32
    %dma_start3A_154 = tpu.memref_slice %arg8[%dma_start3A_152, %dma_start3A_153] : memref<3328x16xf32, #tpu.memory_space<vmem>> -> memref<128x16xf32, #tpu.memory_space<vmem>>
    %dma_start3A_155 = arith.constant 2304 : i32
    %dma_start3A_156 = tpu.memref_slice %arg6[%dma_start3A_155] : memref<3328xi32, #tpu.memory_space<vmem>> -> memref<128xi32, #tpu.memory_space<vmem>>
    %dma_start3A_157 = arith.constant 0 : i32
    %dma_start3A_158 = arith.constant 0 : i32
    %dma_start3A_159 = tpu.memref_slice %arg4[%dma_start3A_157, %dma_start3A_158] : memref<2600000x16xf32, #tpu.memory_space<hbm>> -> memref<2600000x16xf32, #tpu.memory_space<hbm>>
    tpu.enqueue_indirect_dma source(%dma_start3A_159 : memref<2600000x16xf32, #tpu.memory_space<hbm>>) target(%dma_start3A_154 : memref<128x16xf32, #tpu.memory_space<vmem>>) offsets(%dma_start3A_156 : memref<128xi32, #tpu.memory_space<vmem>>) semaphore(%arg9 : memref<!tpu.dma_semaphore, #tpu.memory_space<semaphore_mem>>)
    %dma_start3A_160 = arith.constant 2432 : i32
    %dma_start3A_161 = arith.constant 0 : i32
    %dma_start3A_162 = tpu.memref_slice %arg8[%dma_start3A_160, %dma_start3A_161] : memref<3328x16xf32, #tpu.memory_space<vmem>> -> memref<128x16xf32, #tpu.memory_space<vmem>>
    %dma_start3A_163 = arith.constant 2432 : i32
    %dma_start3A_164 = tpu.memref_slice %arg6[%dma_start3A_163] : memref<3328xi32, #tpu.memory_space<vmem>> -> memref<128xi32, #tpu.memory_space<vmem>>
    %dma_start3A_165 = arith.constant 0 : i32
    %dma_start3A_166 = arith.constant 0 : i32
    %dma_start3A_167 = tpu.memref_slice %arg4[%dma_start3A_165, %dma_start3A_166] : memref<2600000x16xf32, #tpu.memory_space<hbm>> -> memref<2600000x16xf32, #tpu.memory_space<hbm>>
    tpu.enqueue_indirect_dma source(%dma_start3A_167 : memref<2600000x16xf32, #tpu.memory_space<hbm>>) target(%dma_start3A_162 : memref<128x16xf32, #tpu.memory_space<vmem>>) offsets(%dma_start3A_164 : memref<128xi32, #tpu.memory_space<vmem>>) semaphore(%arg9 : memref<!tpu.dma_semaphore, #tpu.memory_space<semaphore_mem>>)
    %dma_start3A_168 = arith.constant 2560 : i32
    %dma_start3A_169 = arith.constant 0 : i32
    %dma_start3A_170 = tpu.memref_slice %arg8[%dma_start3A_168, %dma_start3A_169] : memref<3328x16xf32, #tpu.memory_space<vmem>> -> memref<128x16xf32, #tpu.memory_space<vmem>>
    %dma_start3A_171 = arith.constant 2560 : i32
    %dma_start3A_172 = tpu.memref_slice %arg6[%dma_start3A_171] : memref<3328xi32, #tpu.memory_space<vmem>> -> memref<128xi32, #tpu.memory_space<vmem>>
    %dma_start3A_173 = arith.constant 0 : i32
    %dma_start3A_174 = arith.constant 0 : i32
    %dma_start3A_175 = tpu.memref_slice %arg4[%dma_start3A_173, %dma_start3A_174] : memref<2600000x16xf32, #tpu.memory_space<hbm>> -> memref<2600000x16xf32, #tpu.memory_space<hbm>>
    tpu.enqueue_indirect_dma source(%dma_start3A_175 : memref<2600000x16xf32, #tpu.memory_space<hbm>>) target(%dma_start3A_170 : memref<128x16xf32, #tpu.memory_space<vmem>>) offsets(%dma_start3A_172 : memref<128xi32, #tpu.memory_space<vmem>>) semaphore(%arg9 : memref<!tpu.dma_semaphore, #tpu.memory_space<semaphore_mem>>)
    %dma_start3A_176 = arith.constant 2688 : i32
    %dma_start3A_177 = arith.constant 0 : i32
    %dma_start3A_178 = tpu.memref_slice %arg8[%dma_start3A_176, %dma_start3A_177] : memref<3328x16xf32, #tpu.memory_space<vmem>> -> memref<128x16xf32, #tpu.memory_space<vmem>>
    %dma_start3A_179 = arith.constant 2688 : i32
    %dma_start3A_180 = tpu.memref_slice %arg6[%dma_start3A_179] : memref<3328xi32, #tpu.memory_space<vmem>> -> memref<128xi32, #tpu.memory_space<vmem>>
    %dma_start3A_181 = arith.constant 0 : i32
    %dma_start3A_182 = arith.constant 0 : i32
    %dma_start3A_183 = tpu.memref_slice %arg4[%dma_start3A_181, %dma_start3A_182] : memref<2600000x16xf32, #tpu.memory_space<hbm>> -> memref<2600000x16xf32, #tpu.memory_space<hbm>>
    tpu.enqueue_indirect_dma source(%dma_start3A_183 : memref<2600000x16xf32, #tpu.memory_space<hbm>>) target(%dma_start3A_178 : memref<128x16xf32, #tpu.memory_space<vmem>>) offsets(%dma_start3A_180 : memref<128xi32, #tpu.memory_space<vmem>>) semaphore(%arg9 : memref<!tpu.dma_semaphore, #tpu.memory_space<semaphore_mem>>)
    %dma_start3A_184 = arith.constant 2816 : i32
    %dma_start3A_185 = arith.constant 0 : i32
    %dma_start3A_186 = tpu.memref_slice %arg8[%dma_start3A_184, %dma_start3A_185] : memref<3328x16xf32, #tpu.memory_space<vmem>> -> memref<128x16xf32, #tpu.memory_space<vmem>>
    %dma_start3A_187 = arith.constant 2816 : i32
    %dma_start3A_188 = tpu.memref_slice %arg6[%dma_start3A_187] : memref<3328xi32, #tpu.memory_space<vmem>> -> memref<128xi32, #tpu.memory_space<vmem>>
    %dma_start3A_189 = arith.constant 0 : i32
    %dma_start3A_190 = arith.constant 0 : i32
    %dma_start3A_191 = tpu.memref_slice %arg4[%dma_start3A_189, %dma_start3A_190] : memref<2600000x16xf32, #tpu.memory_space<hbm>> -> memref<2600000x16xf32, #tpu.memory_space<hbm>>
    tpu.enqueue_indirect_dma source(%dma_start3A_191 : memref<2600000x16xf32, #tpu.memory_space<hbm>>) target(%dma_start3A_186 : memref<128x16xf32, #tpu.memory_space<vmem>>) offsets(%dma_start3A_188 : memref<128xi32, #tpu.memory_space<vmem>>) semaphore(%arg9 : memref<!tpu.dma_semaphore, #tpu.memory_space<semaphore_mem>>)
    %dma_start3A_192 = arith.constant 2944 : i32
    %dma_start3A_193 = arith.constant 0 : i32
    %dma_start3A_194 = tpu.memref_slice %arg8[%dma_start3A_192, %dma_start3A_193] : memref<3328x16xf32, #tpu.memory_space<vmem>> -> memref<128x16xf32, #tpu.memory_space<vmem>>
    %dma_start3A_195 = arith.constant 2944 : i32
    %dma_start3A_196 = tpu.memref_slice %arg6[%dma_start3A_195] : memref<3328xi32, #tpu.memory_space<vmem>> -> memref<128xi32, #tpu.memory_space<vmem>>
    %dma_start3A_197 = arith.constant 0 : i32
    %dma_start3A_198 = arith.constant 0 : i32
    %dma_start3A_199 = tpu.memref_slice %arg4[%dma_start3A_197, %dma_start3A_198] : memref<2600000x16xf32, #tpu.memory_space<hbm>> -> memref<2600000x16xf32, #tpu.memory_space<hbm>>
    tpu.enqueue_indirect_dma source(%dma_start3A_199 : memref<2600000x16xf32, #tpu.memory_space<hbm>>) target(%dma_start3A_194 : memref<128x16xf32, #tpu.memory_space<vmem>>) offsets(%dma_start3A_196 : memref<128xi32, #tpu.memory_space<vmem>>) semaphore(%arg9 : memref<!tpu.dma_semaphore, #tpu.memory_space<semaphore_mem>>)
    %dma_start3A_200 = arith.constant 3072 : i32
    %dma_start3A_201 = arith.constant 0 : i32
    %dma_start3A_202 = tpu.memref_slice %arg8[%dma_start3A_200, %dma_start3A_201] : memref<3328x16xf32, #tpu.memory_space<vmem>> -> memref<128x16xf32, #tpu.memory_space<vmem>>
    %dma_start3A_203 = arith.constant 3072 : i32
    %dma_start3A_204 = tpu.memref_slice %arg6[%dma_start3A_203] : memref<3328xi32, #tpu.memory_space<vmem>> -> memref<128xi32, #tpu.memory_space<vmem>>
    %dma_start3A_205 = arith.constant 0 : i32
    %dma_start3A_206 = arith.constant 0 : i32
    %dma_start3A_207 = tpu.memref_slice %arg4[%dma_start3A_205, %dma_start3A_206] : memref<2600000x16xf32, #tpu.memory_space<hbm>> -> memref<2600000x16xf32, #tpu.memory_space<hbm>>
    tpu.enqueue_indirect_dma source(%dma_start3A_207 : memref<2600000x16xf32, #tpu.memory_space<hbm>>) target(%dma_start3A_202 : memref<128x16xf32, #tpu.memory_space<vmem>>) offsets(%dma_start3A_204 : memref<128xi32, #tpu.memory_space<vmem>>) semaphore(%arg9 : memref<!tpu.dma_semaphore, #tpu.memory_space<semaphore_mem>>)
    %dma_start3A_208 = arith.constant 3200 : i32
    %dma_start3A_209 = arith.constant 0 : i32
    %dma_start3A_210 = tpu.memref_slice %arg8[%dma_start3A_208, %dma_start3A_209] : memref<3328x16xf32, #tpu.memory_space<vmem>> -> memref<128x16xf32, #tpu.memory_space<vmem>>
    %dma_start3A_211 = arith.constant 3200 : i32
    %dma_start3A_212 = tpu.memref_slice %arg6[%dma_start3A_211] : memref<3328xi32, #tpu.memory_space<vmem>> -> memref<128xi32, #tpu.memory_space<vmem>>
    %dma_start3A_213 = arith.constant 0 : i32
    %dma_start3A_214 = arith.constant 0 : i32
    %dma_start3A_215 = tpu.memref_slice %arg4[%dma_start3A_213, %dma_start3A_214] : memref<2600000x16xf32, #tpu.memory_space<hbm>> -> memref<2600000x16xf32, #tpu.memory_space<hbm>>
    tpu.enqueue_indirect_dma source(%dma_start3A_215 : memref<2600000x16xf32, #tpu.memory_space<hbm>>) target(%dma_start3A_210 : memref<128x16xf32, #tpu.memory_space<vmem>>) offsets(%dma_start3A_212 : memref<128xi32, #tpu.memory_space<vmem>>) semaphore(%arg9 : memref<!tpu.dma_semaphore, #tpu.memory_space<semaphore_mem>>)
    %dma_wait3A = arith.constant 0 : i32
    %dma_wait3A_216 = arith.constant 0 : i32
    %dma_wait3A_217 = tpu.memref_slice %arg8[%dma_wait3A, %dma_wait3A_216] : memref<3328x16xf32, #tpu.memory_space<vmem>> -> memref<128x16xf32, #tpu.memory_space<vmem>>
    %dma_wait3A_218 = arith.constant 0 : i32
    %dma_wait3A_219 = tpu.memref_slice %arg6[%dma_wait3A_218] : memref<3328xi32, #tpu.memory_space<vmem>> -> memref<128xi32, #tpu.memory_space<vmem>>
    %dma_wait3A_220 = arith.constant 0 : i32
    %dma_wait3A_221 = arith.constant 0 : i32
    %dma_wait3A_222 = tpu.memref_slice %arg4[%dma_wait3A_220, %dma_wait3A_221] : memref<2600000x16xf32, #tpu.memory_space<hbm>> -> memref<2600000x16xf32, #tpu.memory_space<hbm>>
    tpu.wait_indirect_dma semaphore(%arg9 : memref<!tpu.dma_semaphore, #tpu.memory_space<semaphore_mem>>) src(%dma_wait3A_222 : memref<2600000x16xf32, #tpu.memory_space<hbm>>) dst(%dma_wait3A_217 : memref<128x16xf32, #tpu.memory_space<vmem>>)
    %dma_wait3A_223 = arith.constant 128 : i32
    %dma_wait3A_224 = arith.constant 0 : i32
    %dma_wait3A_225 = tpu.memref_slice %arg8[%dma_wait3A_223, %dma_wait3A_224] : memref<3328x16xf32, #tpu.memory_space<vmem>> -> memref<128x16xf32, #tpu.memory_space<vmem>>
    %dma_wait3A_226 = arith.constant 128 : i32
    %dma_wait3A_227 = tpu.memref_slice %arg6[%dma_wait3A_226] : memref<3328xi32, #tpu.memory_space<vmem>> -> memref<128xi32, #tpu.memory_space<vmem>>
    %dma_wait3A_228 = arith.constant 0 : i32
    %dma_wait3A_229 = arith.constant 0 : i32
    %dma_wait3A_230 = tpu.memref_slice %arg4[%dma_wait3A_228, %dma_wait3A_229] : memref<2600000x16xf32, #tpu.memory_space<hbm>> -> memref<2600000x16xf32, #tpu.memory_space<hbm>>
    tpu.wait_indirect_dma semaphore(%arg9 : memref<!tpu.dma_semaphore, #tpu.memory_space<semaphore_mem>>) src(%dma_wait3A_230 : memref<2600000x16xf32, #tpu.memory_space<hbm>>) dst(%dma_wait3A_225 : memref<128x16xf32, #tpu.memory_space<vmem>>)
    %dma_wait3A_231 = arith.constant 256 : i32
    %dma_wait3A_232 = arith.constant 0 : i32
    %dma_wait3A_233 = tpu.memref_slice %arg8[%dma_wait3A_231, %dma_wait3A_232] : memref<3328x16xf32, #tpu.memory_space<vmem>> -> memref<128x16xf32, #tpu.memory_space<vmem>>
    %dma_wait3A_234 = arith.constant 256 : i32
    %dma_wait3A_235 = tpu.memref_slice %arg6[%dma_wait3A_234] : memref<3328xi32, #tpu.memory_space<vmem>> -> memref<128xi32, #tpu.memory_space<vmem>>
    %dma_wait3A_236 = arith.constant 0 : i32
    %dma_wait3A_237 = arith.constant 0 : i32
    %dma_wait3A_238 = tpu.memref_slice %arg4[%dma_wait3A_236, %dma_wait3A_237] : memref<2600000x16xf32, #tpu.memory_space<hbm>> -> memref<2600000x16xf32, #tpu.memory_space<hbm>>
    tpu.wait_indirect_dma semaphore(%arg9 : memref<!tpu.dma_semaphore, #tpu.memory_space<semaphore_mem>>) src(%dma_wait3A_238 : memref<2600000x16xf32, #tpu.memory_space<hbm>>) dst(%dma_wait3A_233 : memref<128x16xf32, #tpu.memory_space<vmem>>)
    %dma_wait3A_239 = arith.constant 384 : i32
    %dma_wait3A_240 = arith.constant 0 : i32
    %dma_wait3A_241 = tpu.memref_slice %arg8[%dma_wait3A_239, %dma_wait3A_240] : memref<3328x16xf32, #tpu.memory_space<vmem>> -> memref<128x16xf32, #tpu.memory_space<vmem>>
    %dma_wait3A_242 = arith.constant 384 : i32
    %dma_wait3A_243 = tpu.memref_slice %arg6[%dma_wait3A_242] : memref<3328xi32, #tpu.memory_space<vmem>> -> memref<128xi32, #tpu.memory_space<vmem>>
    %dma_wait3A_244 = arith.constant 0 : i32
    %dma_wait3A_245 = arith.constant 0 : i32
    %dma_wait3A_246 = tpu.memref_slice %arg4[%dma_wait3A_244, %dma_wait3A_245] : memref<2600000x16xf32, #tpu.memory_space<hbm>> -> memref<2600000x16xf32, #tpu.memory_space<hbm>>
    tpu.wait_indirect_dma semaphore(%arg9 : memref<!tpu.dma_semaphore, #tpu.memory_space<semaphore_mem>>) src(%dma_wait3A_246 : memref<2600000x16xf32, #tpu.memory_space<hbm>>) dst(%dma_wait3A_241 : memref<128x16xf32, #tpu.memory_space<vmem>>)
    %dma_wait3A_247 = arith.constant 512 : i32
    %dma_wait3A_248 = arith.constant 0 : i32
    %dma_wait3A_249 = tpu.memref_slice %arg8[%dma_wait3A_247, %dma_wait3A_248] : memref<3328x16xf32, #tpu.memory_space<vmem>> -> memref<128x16xf32, #tpu.memory_space<vmem>>
    %dma_wait3A_250 = arith.constant 512 : i32
    %dma_wait3A_251 = tpu.memref_slice %arg6[%dma_wait3A_250] : memref<3328xi32, #tpu.memory_space<vmem>> -> memref<128xi32, #tpu.memory_space<vmem>>
    %dma_wait3A_252 = arith.constant 0 : i32
    %dma_wait3A_253 = arith.constant 0 : i32
    %dma_wait3A_254 = tpu.memref_slice %arg4[%dma_wait3A_252, %dma_wait3A_253] : memref<2600000x16xf32, #tpu.memory_space<hbm>> -> memref<2600000x16xf32, #tpu.memory_space<hbm>>
    tpu.wait_indirect_dma semaphore(%arg9 : memref<!tpu.dma_semaphore, #tpu.memory_space<semaphore_mem>>) src(%dma_wait3A_254 : memref<2600000x16xf32, #tpu.memory_space<hbm>>) dst(%dma_wait3A_249 : memref<128x16xf32, #tpu.memory_space<vmem>>)
    %dma_wait3A_255 = arith.constant 640 : i32
    %dma_wait3A_256 = arith.constant 0 : i32
    %dma_wait3A_257 = tpu.memref_slice %arg8[%dma_wait3A_255, %dma_wait3A_256] : memref<3328x16xf32, #tpu.memory_space<vmem>> -> memref<128x16xf32, #tpu.memory_space<vmem>>
    %dma_wait3A_258 = arith.constant 640 : i32
    %dma_wait3A_259 = tpu.memref_slice %arg6[%dma_wait3A_258] : memref<3328xi32, #tpu.memory_space<vmem>> -> memref<128xi32, #tpu.memory_space<vmem>>
    %dma_wait3A_260 = arith.constant 0 : i32
    %dma_wait3A_261 = arith.constant 0 : i32
    %dma_wait3A_262 = tpu.memref_slice %arg4[%dma_wait3A_260, %dma_wait3A_261] : memref<2600000x16xf32, #tpu.memory_space<hbm>> -> memref<2600000x16xf32, #tpu.memory_space<hbm>>
    tpu.wait_indirect_dma semaphore(%arg9 : memref<!tpu.dma_semaphore, #tpu.memory_space<semaphore_mem>>) src(%dma_wait3A_262 : memref<2600000x16xf32, #tpu.memory_space<hbm>>) dst(%dma_wait3A_257 : memref<128x16xf32, #tpu.memory_space<vmem>>)
    %dma_wait3A_263 = arith.constant 768 : i32
    %dma_wait3A_264 = arith.constant 0 : i32
    %dma_wait3A_265 = tpu.memref_slice %arg8[%dma_wait3A_263, %dma_wait3A_264] : memref<3328x16xf32, #tpu.memory_space<vmem>> -> memref<128x16xf32, #tpu.memory_space<vmem>>
    %dma_wait3A_266 = arith.constant 768 : i32
    %dma_wait3A_267 = tpu.memref_slice %arg6[%dma_wait3A_266] : memref<3328xi32, #tpu.memory_space<vmem>> -> memref<128xi32, #tpu.memory_space<vmem>>
    %dma_wait3A_268 = arith.constant 0 : i32
    %dma_wait3A_269 = arith.constant 0 : i32
    %dma_wait3A_270 = tpu.memref_slice %arg4[%dma_wait3A_268, %dma_wait3A_269] : memref<2600000x16xf32, #tpu.memory_space<hbm>> -> memref<2600000x16xf32, #tpu.memory_space<hbm>>
    tpu.wait_indirect_dma semaphore(%arg9 : memref<!tpu.dma_semaphore, #tpu.memory_space<semaphore_mem>>) src(%dma_wait3A_270 : memref<2600000x16xf32, #tpu.memory_space<hbm>>) dst(%dma_wait3A_265 : memref<128x16xf32, #tpu.memory_space<vmem>>)
    %dma_wait3A_271 = arith.constant 896 : i32
    %dma_wait3A_272 = arith.constant 0 : i32
    %dma_wait3A_273 = tpu.memref_slice %arg8[%dma_wait3A_271, %dma_wait3A_272] : memref<3328x16xf32, #tpu.memory_space<vmem>> -> memref<128x16xf32, #tpu.memory_space<vmem>>
    %dma_wait3A_274 = arith.constant 896 : i32
    %dma_wait3A_275 = tpu.memref_slice %arg6[%dma_wait3A_274] : memref<3328xi32, #tpu.memory_space<vmem>> -> memref<128xi32, #tpu.memory_space<vmem>>
    %dma_wait3A_276 = arith.constant 0 : i32
    %dma_wait3A_277 = arith.constant 0 : i32
    %dma_wait3A_278 = tpu.memref_slice %arg4[%dma_wait3A_276, %dma_wait3A_277] : memref<2600000x16xf32, #tpu.memory_space<hbm>> -> memref<2600000x16xf32, #tpu.memory_space<hbm>>
    tpu.wait_indirect_dma semaphore(%arg9 : memref<!tpu.dma_semaphore, #tpu.memory_space<semaphore_mem>>) src(%dma_wait3A_278 : memref<2600000x16xf32, #tpu.memory_space<hbm>>) dst(%dma_wait3A_273 : memref<128x16xf32, #tpu.memory_space<vmem>>)
    %dma_wait3A_279 = arith.constant 1024 : i32
    %dma_wait3A_280 = arith.constant 0 : i32
    %dma_wait3A_281 = tpu.memref_slice %arg8[%dma_wait3A_279, %dma_wait3A_280] : memref<3328x16xf32, #tpu.memory_space<vmem>> -> memref<128x16xf32, #tpu.memory_space<vmem>>
    %dma_wait3A_282 = arith.constant 1024 : i32
    %dma_wait3A_283 = tpu.memref_slice %arg6[%dma_wait3A_282] : memref<3328xi32, #tpu.memory_space<vmem>> -> memref<128xi32, #tpu.memory_space<vmem>>
    %dma_wait3A_284 = arith.constant 0 : i32
    %dma_wait3A_285 = arith.constant 0 : i32
    %dma_wait3A_286 = tpu.memref_slice %arg4[%dma_wait3A_284, %dma_wait3A_285] : memref<2600000x16xf32, #tpu.memory_space<hbm>> -> memref<2600000x16xf32, #tpu.memory_space<hbm>>
    tpu.wait_indirect_dma semaphore(%arg9 : memref<!tpu.dma_semaphore, #tpu.memory_space<semaphore_mem>>) src(%dma_wait3A_286 : memref<2600000x16xf32, #tpu.memory_space<hbm>>) dst(%dma_wait3A_281 : memref<128x16xf32, #tpu.memory_space<vmem>>)
    %dma_wait3A_287 = arith.constant 1152 : i32
    %dma_wait3A_288 = arith.constant 0 : i32
    %dma_wait3A_289 = tpu.memref_slice %arg8[%dma_wait3A_287, %dma_wait3A_288] : memref<3328x16xf32, #tpu.memory_space<vmem>> -> memref<128x16xf32, #tpu.memory_space<vmem>>
    %dma_wait3A_290 = arith.constant 1152 : i32
    %dma_wait3A_291 = tpu.memref_slice %arg6[%dma_wait3A_290] : memref<3328xi32, #tpu.memory_space<vmem>> -> memref<128xi32, #tpu.memory_space<vmem>>
    %dma_wait3A_292 = arith.constant 0 : i32
    %dma_wait3A_293 = arith.constant 0 : i32
    %dma_wait3A_294 = tpu.memref_slice %arg4[%dma_wait3A_292, %dma_wait3A_293] : memref<2600000x16xf32, #tpu.memory_space<hbm>> -> memref<2600000x16xf32, #tpu.memory_space<hbm>>
    tpu.wait_indirect_dma semaphore(%arg9 : memref<!tpu.dma_semaphore, #tpu.memory_space<semaphore_mem>>) src(%dma_wait3A_294 : memref<2600000x16xf32, #tpu.memory_space<hbm>>) dst(%dma_wait3A_289 : memref<128x16xf32, #tpu.memory_space<vmem>>)
    %dma_wait3A_295 = arith.constant 1280 : i32
    %dma_wait3A_296 = arith.constant 0 : i32
    %dma_wait3A_297 = tpu.memref_slice %arg8[%dma_wait3A_295, %dma_wait3A_296] : memref<3328x16xf32, #tpu.memory_space<vmem>> -> memref<128x16xf32, #tpu.memory_space<vmem>>
    %dma_wait3A_298 = arith.constant 1280 : i32
    %dma_wait3A_299 = tpu.memref_slice %arg6[%dma_wait3A_298] : memref<3328xi32, #tpu.memory_space<vmem>> -> memref<128xi32, #tpu.memory_space<vmem>>
    %dma_wait3A_300 = arith.constant 0 : i32
    %dma_wait3A_301 = arith.constant 0 : i32
    %dma_wait3A_302 = tpu.memref_slice %arg4[%dma_wait3A_300, %dma_wait3A_301] : memref<2600000x16xf32, #tpu.memory_space<hbm>> -> memref<2600000x16xf32, #tpu.memory_space<hbm>>
    tpu.wait_indirect_dma semaphore(%arg9 : memref<!tpu.dma_semaphore, #tpu.memory_space<semaphore_mem>>) src(%dma_wait3A_302 : memref<2600000x16xf32, #tpu.memory_space<hbm>>) dst(%dma_wait3A_297 : memref<128x16xf32, #tpu.memory_space<vmem>>)
    %dma_wait3A_303 = arith.constant 1408 : i32
    %dma_wait3A_304 = arith.constant 0 : i32
    %dma_wait3A_305 = tpu.memref_slice %arg8[%dma_wait3A_303, %dma_wait3A_304] : memref<3328x16xf32, #tpu.memory_space<vmem>> -> memref<128x16xf32, #tpu.memory_space<vmem>>
    %dma_wait3A_306 = arith.constant 1408 : i32
    %dma_wait3A_307 = tpu.memref_slice %arg6[%dma_wait3A_306] : memref<3328xi32, #tpu.memory_space<vmem>> -> memref<128xi32, #tpu.memory_space<vmem>>
    %dma_wait3A_308 = arith.constant 0 : i32
    %dma_wait3A_309 = arith.constant 0 : i32
    %dma_wait3A_310 = tpu.memref_slice %arg4[%dma_wait3A_308, %dma_wait3A_309] : memref<2600000x16xf32, #tpu.memory_space<hbm>> -> memref<2600000x16xf32, #tpu.memory_space<hbm>>
    tpu.wait_indirect_dma semaphore(%arg9 : memref<!tpu.dma_semaphore, #tpu.memory_space<semaphore_mem>>) src(%dma_wait3A_310 : memref<2600000x16xf32, #tpu.memory_space<hbm>>) dst(%dma_wait3A_305 : memref<128x16xf32, #tpu.memory_space<vmem>>)
    %dma_wait3A_311 = arith.constant 1536 : i32
    %dma_wait3A_312 = arith.constant 0 : i32
    %dma_wait3A_313 = tpu.memref_slice %arg8[%dma_wait3A_311, %dma_wait3A_312] : memref<3328x16xf32, #tpu.memory_space<vmem>> -> memref<128x16xf32, #tpu.memory_space<vmem>>
    %dma_wait3A_314 = arith.constant 1536 : i32
    %dma_wait3A_315 = tpu.memref_slice %arg6[%dma_wait3A_314] : memref<3328xi32, #tpu.memory_space<vmem>> -> memref<128xi32, #tpu.memory_space<vmem>>
    %dma_wait3A_316 = arith.constant 0 : i32
    %dma_wait3A_317 = arith.constant 0 : i32
    %dma_wait3A_318 = tpu.memref_slice %arg4[%dma_wait3A_316, %dma_wait3A_317] : memref<2600000x16xf32, #tpu.memory_space<hbm>> -> memref<2600000x16xf32, #tpu.memory_space<hbm>>
    tpu.wait_indirect_dma semaphore(%arg9 : memref<!tpu.dma_semaphore, #tpu.memory_space<semaphore_mem>>) src(%dma_wait3A_318 : memref<2600000x16xf32, #tpu.memory_space<hbm>>) dst(%dma_wait3A_313 : memref<128x16xf32, #tpu.memory_space<vmem>>)
    %dma_wait3A_319 = arith.constant 1664 : i32
    %dma_wait3A_320 = arith.constant 0 : i32
    %dma_wait3A_321 = tpu.memref_slice %arg8[%dma_wait3A_319, %dma_wait3A_320] : memref<3328x16xf32, #tpu.memory_space<vmem>> -> memref<128x16xf32, #tpu.memory_space<vmem>>
    %dma_wait3A_322 = arith.constant 1664 : i32
    %dma_wait3A_323 = tpu.memref_slice %arg6[%dma_wait3A_322] : memref<3328xi32, #tpu.memory_space<vmem>> -> memref<128xi32, #tpu.memory_space<vmem>>
    %dma_wait3A_324 = arith.constant 0 : i32
    %dma_wait3A_325 = arith.constant 0 : i32
    %dma_wait3A_326 = tpu.memref_slice %arg4[%dma_wait3A_324, %dma_wait3A_325] : memref<2600000x16xf32, #tpu.memory_space<hbm>> -> memref<2600000x16xf32, #tpu.memory_space<hbm>>
    tpu.wait_indirect_dma semaphore(%arg9 : memref<!tpu.dma_semaphore, #tpu.memory_space<semaphore_mem>>) src(%dma_wait3A_326 : memref<2600000x16xf32, #tpu.memory_space<hbm>>) dst(%dma_wait3A_321 : memref<128x16xf32, #tpu.memory_space<vmem>>)
    %dma_wait3A_327 = arith.constant 1792 : i32
    %dma_wait3A_328 = arith.constant 0 : i32
    %dma_wait3A_329 = tpu.memref_slice %arg8[%dma_wait3A_327, %dma_wait3A_328] : memref<3328x16xf32, #tpu.memory_space<vmem>> -> memref<128x16xf32, #tpu.memory_space<vmem>>
    %dma_wait3A_330 = arith.constant 1792 : i32
    %dma_wait3A_331 = tpu.memref_slice %arg6[%dma_wait3A_330] : memref<3328xi32, #tpu.memory_space<vmem>> -> memref<128xi32, #tpu.memory_space<vmem>>
    %dma_wait3A_332 = arith.constant 0 : i32
    %dma_wait3A_333 = arith.constant 0 : i32
    %dma_wait3A_334 = tpu.memref_slice %arg4[%dma_wait3A_332, %dma_wait3A_333] : memref<2600000x16xf32, #tpu.memory_space<hbm>> -> memref<2600000x16xf32, #tpu.memory_space<hbm>>
    tpu.wait_indirect_dma semaphore(%arg9 : memref<!tpu.dma_semaphore, #tpu.memory_space<semaphore_mem>>) src(%dma_wait3A_334 : memref<2600000x16xf32, #tpu.memory_space<hbm>>) dst(%dma_wait3A_329 : memref<128x16xf32, #tpu.memory_space<vmem>>)
    %dma_wait3A_335 = arith.constant 1920 : i32
    %dma_wait3A_336 = arith.constant 0 : i32
    %dma_wait3A_337 = tpu.memref_slice %arg8[%dma_wait3A_335, %dma_wait3A_336] : memref<3328x16xf32, #tpu.memory_space<vmem>> -> memref<128x16xf32, #tpu.memory_space<vmem>>
    %dma_wait3A_338 = arith.constant 1920 : i32
    %dma_wait3A_339 = tpu.memref_slice %arg6[%dma_wait3A_338] : memref<3328xi32, #tpu.memory_space<vmem>> -> memref<128xi32, #tpu.memory_space<vmem>>
    %dma_wait3A_340 = arith.constant 0 : i32
    %dma_wait3A_341 = arith.constant 0 : i32
    %dma_wait3A_342 = tpu.memref_slice %arg4[%dma_wait3A_340, %dma_wait3A_341] : memref<2600000x16xf32, #tpu.memory_space<hbm>> -> memref<2600000x16xf32, #tpu.memory_space<hbm>>
    tpu.wait_indirect_dma semaphore(%arg9 : memref<!tpu.dma_semaphore, #tpu.memory_space<semaphore_mem>>) src(%dma_wait3A_342 : memref<2600000x16xf32, #tpu.memory_space<hbm>>) dst(%dma_wait3A_337 : memref<128x16xf32, #tpu.memory_space<vmem>>)
    %dma_wait3A_343 = arith.constant 2048 : i32
    %dma_wait3A_344 = arith.constant 0 : i32
    %dma_wait3A_345 = tpu.memref_slice %arg8[%dma_wait3A_343, %dma_wait3A_344] : memref<3328x16xf32, #tpu.memory_space<vmem>> -> memref<128x16xf32, #tpu.memory_space<vmem>>
    %dma_wait3A_346 = arith.constant 2048 : i32
    %dma_wait3A_347 = tpu.memref_slice %arg6[%dma_wait3A_346] : memref<3328xi32, #tpu.memory_space<vmem>> -> memref<128xi32, #tpu.memory_space<vmem>>
    %dma_wait3A_348 = arith.constant 0 : i32
    %dma_wait3A_349 = arith.constant 0 : i32
    %dma_wait3A_350 = tpu.memref_slice %arg4[%dma_wait3A_348, %dma_wait3A_349] : memref<2600000x16xf32, #tpu.memory_space<hbm>> -> memref<2600000x16xf32, #tpu.memory_space<hbm>>
    tpu.wait_indirect_dma semaphore(%arg9 : memref<!tpu.dma_semaphore, #tpu.memory_space<semaphore_mem>>) src(%dma_wait3A_350 : memref<2600000x16xf32, #tpu.memory_space<hbm>>) dst(%dma_wait3A_345 : memref<128x16xf32, #tpu.memory_space<vmem>>)
    %dma_wait3A_351 = arith.constant 2176 : i32
    %dma_wait3A_352 = arith.constant 0 : i32
    %dma_wait3A_353 = tpu.memref_slice %arg8[%dma_wait3A_351, %dma_wait3A_352] : memref<3328x16xf32, #tpu.memory_space<vmem>> -> memref<128x16xf32, #tpu.memory_space<vmem>>
    %dma_wait3A_354 = arith.constant 2176 : i32
    %dma_wait3A_355 = tpu.memref_slice %arg6[%dma_wait3A_354] : memref<3328xi32, #tpu.memory_space<vmem>> -> memref<128xi32, #tpu.memory_space<vmem>>
    %dma_wait3A_356 = arith.constant 0 : i32
    %dma_wait3A_357 = arith.constant 0 : i32
    %dma_wait3A_358 = tpu.memref_slice %arg4[%dma_wait3A_356, %dma_wait3A_357] : memref<2600000x16xf32, #tpu.memory_space<hbm>> -> memref<2600000x16xf32, #tpu.memory_space<hbm>>
    tpu.wait_indirect_dma semaphore(%arg9 : memref<!tpu.dma_semaphore, #tpu.memory_space<semaphore_mem>>) src(%dma_wait3A_358 : memref<2600000x16xf32, #tpu.memory_space<hbm>>) dst(%dma_wait3A_353 : memref<128x16xf32, #tpu.memory_space<vmem>>)
    %dma_wait3A_359 = arith.constant 2304 : i32
    %dma_wait3A_360 = arith.constant 0 : i32
    %dma_wait3A_361 = tpu.memref_slice %arg8[%dma_wait3A_359, %dma_wait3A_360] : memref<3328x16xf32, #tpu.memory_space<vmem>> -> memref<128x16xf32, #tpu.memory_space<vmem>>
    %dma_wait3A_362 = arith.constant 2304 : i32
    %dma_wait3A_363 = tpu.memref_slice %arg6[%dma_wait3A_362] : memref<3328xi32, #tpu.memory_space<vmem>> -> memref<128xi32, #tpu.memory_space<vmem>>
    %dma_wait3A_364 = arith.constant 0 : i32
    %dma_wait3A_365 = arith.constant 0 : i32
    %dma_wait3A_366 = tpu.memref_slice %arg4[%dma_wait3A_364, %dma_wait3A_365] : memref<2600000x16xf32, #tpu.memory_space<hbm>> -> memref<2600000x16xf32, #tpu.memory_space<hbm>>
    tpu.wait_indirect_dma semaphore(%arg9 : memref<!tpu.dma_semaphore, #tpu.memory_space<semaphore_mem>>) src(%dma_wait3A_366 : memref<2600000x16xf32, #tpu.memory_space<hbm>>) dst(%dma_wait3A_361 : memref<128x16xf32, #tpu.memory_space<vmem>>)
    %dma_wait3A_367 = arith.constant 2432 : i32
    %dma_wait3A_368 = arith.constant 0 : i32
    %dma_wait3A_369 = tpu.memref_slice %arg8[%dma_wait3A_367, %dma_wait3A_368] : memref<3328x16xf32, #tpu.memory_space<vmem>> -> memref<128x16xf32, #tpu.memory_space<vmem>>
    %dma_wait3A_370 = arith.constant 2432 : i32
    %dma_wait3A_371 = tpu.memref_slice %arg6[%dma_wait3A_370] : memref<3328xi32, #tpu.memory_space<vmem>> -> memref<128xi32, #tpu.memory_space<vmem>>
    %dma_wait3A_372 = arith.constant 0 : i32
    %dma_wait3A_373 = arith.constant 0 : i32
    %dma_wait3A_374 = tpu.memref_slice %arg4[%dma_wait3A_372, %dma_wait3A_373] : memref<2600000x16xf32, #tpu.memory_space<hbm>> -> memref<2600000x16xf32, #tpu.memory_space<hbm>>
    tpu.wait_indirect_dma semaphore(%arg9 : memref<!tpu.dma_semaphore, #tpu.memory_space<semaphore_mem>>) src(%dma_wait3A_374 : memref<2600000x16xf32, #tpu.memory_space<hbm>>) dst(%dma_wait3A_369 : memref<128x16xf32, #tpu.memory_space<vmem>>)
    %dma_wait3A_375 = arith.constant 2560 : i32
    %dma_wait3A_376 = arith.constant 0 : i32
    %dma_wait3A_377 = tpu.memref_slice %arg8[%dma_wait3A_375, %dma_wait3A_376] : memref<3328x16xf32, #tpu.memory_space<vmem>> -> memref<128x16xf32, #tpu.memory_space<vmem>>
    %dma_wait3A_378 = arith.constant 2560 : i32
    %dma_wait3A_379 = tpu.memref_slice %arg6[%dma_wait3A_378] : memref<3328xi32, #tpu.memory_space<vmem>> -> memref<128xi32, #tpu.memory_space<vmem>>
    %dma_wait3A_380 = arith.constant 0 : i32
    %dma_wait3A_381 = arith.constant 0 : i32
    %dma_wait3A_382 = tpu.memref_slice %arg4[%dma_wait3A_380, %dma_wait3A_381] : memref<2600000x16xf32, #tpu.memory_space<hbm>> -> memref<2600000x16xf32, #tpu.memory_space<hbm>>
    tpu.wait_indirect_dma semaphore(%arg9 : memref<!tpu.dma_semaphore, #tpu.memory_space<semaphore_mem>>) src(%dma_wait3A_382 : memref<2600000x16xf32, #tpu.memory_space<hbm>>) dst(%dma_wait3A_377 : memref<128x16xf32, #tpu.memory_space<vmem>>)
    %dma_wait3A_383 = arith.constant 2688 : i32
    %dma_wait3A_384 = arith.constant 0 : i32
    %dma_wait3A_385 = tpu.memref_slice %arg8[%dma_wait3A_383, %dma_wait3A_384] : memref<3328x16xf32, #tpu.memory_space<vmem>> -> memref<128x16xf32, #tpu.memory_space<vmem>>
    %dma_wait3A_386 = arith.constant 2688 : i32
    %dma_wait3A_387 = tpu.memref_slice %arg6[%dma_wait3A_386] : memref<3328xi32, #tpu.memory_space<vmem>> -> memref<128xi32, #tpu.memory_space<vmem>>
    %dma_wait3A_388 = arith.constant 0 : i32
    %dma_wait3A_389 = arith.constant 0 : i32
    %dma_wait3A_390 = tpu.memref_slice %arg4[%dma_wait3A_388, %dma_wait3A_389] : memref<2600000x16xf32, #tpu.memory_space<hbm>> -> memref<2600000x16xf32, #tpu.memory_space<hbm>>
    tpu.wait_indirect_dma semaphore(%arg9 : memref<!tpu.dma_semaphore, #tpu.memory_space<semaphore_mem>>) src(%dma_wait3A_390 : memref<2600000x16xf32, #tpu.memory_space<hbm>>) dst(%dma_wait3A_385 : memref<128x16xf32, #tpu.memory_space<vmem>>)
    %dma_wait3A_391 = arith.constant 2816 : i32
    %dma_wait3A_392 = arith.constant 0 : i32
    %dma_wait3A_393 = tpu.memref_slice %arg8[%dma_wait3A_391, %dma_wait3A_392] : memref<3328x16xf32, #tpu.memory_space<vmem>> -> memref<128x16xf32, #tpu.memory_space<vmem>>
    %dma_wait3A_394 = arith.constant 2816 : i32
    %dma_wait3A_395 = tpu.memref_slice %arg6[%dma_wait3A_394] : memref<3328xi32, #tpu.memory_space<vmem>> -> memref<128xi32, #tpu.memory_space<vmem>>
    %dma_wait3A_396 = arith.constant 0 : i32
    %dma_wait3A_397 = arith.constant 0 : i32
    %dma_wait3A_398 = tpu.memref_slice %arg4[%dma_wait3A_396, %dma_wait3A_397] : memref<2600000x16xf32, #tpu.memory_space<hbm>> -> memref<2600000x16xf32, #tpu.memory_space<hbm>>
    tpu.wait_indirect_dma semaphore(%arg9 : memref<!tpu.dma_semaphore, #tpu.memory_space<semaphore_mem>>) src(%dma_wait3A_398 : memref<2600000x16xf32, #tpu.memory_space<hbm>>) dst(%dma_wait3A_393 : memref<128x16xf32, #tpu.memory_space<vmem>>)
    %dma_wait3A_399 = arith.constant 2944 : i32
    %dma_wait3A_400 = arith.constant 0 : i32
    %dma_wait3A_401 = tpu.memref_slice %arg8[%dma_wait3A_399, %dma_wait3A_400] : memref<3328x16xf32, #tpu.memory_space<vmem>> -> memref<128x16xf32, #tpu.memory_space<vmem>>
    %dma_wait3A_402 = arith.constant 2944 : i32
    %dma_wait3A_403 = tpu.memref_slice %arg6[%dma_wait3A_402] : memref<3328xi32, #tpu.memory_space<vmem>> -> memref<128xi32, #tpu.memory_space<vmem>>
    %dma_wait3A_404 = arith.constant 0 : i32
    %dma_wait3A_405 = arith.constant 0 : i32
    %dma_wait3A_406 = tpu.memref_slice %arg4[%dma_wait3A_404, %dma_wait3A_405] : memref<2600000x16xf32, #tpu.memory_space<hbm>> -> memref<2600000x16xf32, #tpu.memory_space<hbm>>
    tpu.wait_indirect_dma semaphore(%arg9 : memref<!tpu.dma_semaphore, #tpu.memory_space<semaphore_mem>>) src(%dma_wait3A_406 : memref<2600000x16xf32, #tpu.memory_space<hbm>>) dst(%dma_wait3A_401 : memref<128x16xf32, #tpu.memory_space<vmem>>)
    %dma_wait3A_407 = arith.constant 3072 : i32
    %dma_wait3A_408 = arith.constant 0 : i32
    %dma_wait3A_409 = tpu.memref_slice %arg8[%dma_wait3A_407, %dma_wait3A_408] : memref<3328x16xf32, #tpu.memory_space<vmem>> -> memref<128x16xf32, #tpu.memory_space<vmem>>
    %dma_wait3A_410 = arith.constant 3072 : i32
    %dma_wait3A_411 = tpu.memref_slice %arg6[%dma_wait3A_410] : memref<3328xi32, #tpu.memory_space<vmem>> -> memref<128xi32, #tpu.memory_space<vmem>>
    %dma_wait3A_412 = arith.constant 0 : i32
    %dma_wait3A_413 = arith.constant 0 : i32
    %dma_wait3A_414 = tpu.memref_slice %arg4[%dma_wait3A_412, %dma_wait3A_413] : memref<2600000x16xf32, #tpu.memory_space<hbm>> -> memref<2600000x16xf32, #tpu.memory_space<hbm>>
    tpu.wait_indirect_dma semaphore(%arg9 : memref<!tpu.dma_semaphore, #tpu.memory_space<semaphore_mem>>) src(%dma_wait3A_414 : memref<2600000x16xf32, #tpu.memory_space<hbm>>) dst(%dma_wait3A_409 : memref<128x16xf32, #tpu.memory_space<vmem>>)
    %dma_wait3A_415 = arith.constant 3200 : i32
    %dma_wait3A_416 = arith.constant 0 : i32
    %dma_wait3A_417 = tpu.memref_slice %arg8[%dma_wait3A_415, %dma_wait3A_416] : memref<3328x16xf32, #tpu.memory_space<vmem>> -> memref<128x16xf32, #tpu.memory_space<vmem>>
    %dma_wait3A_418 = arith.constant 3200 : i32
    %dma_wait3A_419 = tpu.memref_slice %arg6[%dma_wait3A_418] : memref<3328xi32, #tpu.memory_space<vmem>> -> memref<128xi32, #tpu.memory_space<vmem>>
    %dma_wait3A_420 = arith.constant 0 : i32
    %dma_wait3A_421 = arith.constant 0 : i32
    %dma_wait3A_422 = tpu.memref_slice %arg4[%dma_wait3A_420, %dma_wait3A_421] : memref<2600000x16xf32, #tpu.memory_space<hbm>> -> memref<2600000x16xf32, #tpu.memory_space<hbm>>
    tpu.wait_indirect_dma semaphore(%arg9 : memref<!tpu.dma_semaphore, #tpu.memory_space<semaphore_mem>>) src(%dma_wait3A_422 : memref<2600000x16xf32, #tpu.memory_space<hbm>>) dst(%dma_wait3A_417 : memref<128x16xf32, #tpu.memory_space<vmem>>)
    "tpu.region"() ({
      %run_scoped3A = tpu.sem_alloc : memref<!tpu.dma_semaphore, #tpu.memory_space<semaphore_mem>>
      %dma_start3A_423 = arith.constant 0 : i32
      %dma_start3A_424 = tpu.memref_slice %arg5[%mul3A_2, %dma_start3A_423] : memref<106496x16xf32, #tpu.memory_space<hbm>> -> memref<3328x16xf32, #tpu.memory_space<hbm>>
      %dma_start3A_425 = arith.constant 0 : i32
      %dma_start3A_426 = tpu.memref_slice %arg5[%mul3A_2, %dma_start3A_425] : memref<106496x16xf32, #tpu.memory_space<hbm>> -> memref<3328x16xf32, #tpu.memory_space<hbm>>
      tpu.enqueue_dma source(%arg8 : memref<3328x16xf32, #tpu.memory_space<vmem>>) target(%dma_start3A_426 : memref<3328x16xf32, #tpu.memory_space<hbm>>) target_semaphore(%run_scoped3A : memref<!tpu.dma_semaphore, #tpu.memory_space<semaphore_mem>>)
      %dma_wait3A_427 = arith.constant 0 : i32
      %dma_wait3A_428 = tpu.memref_slice %arg5[%mul3A_2, %dma_wait3A_427] : memref<106496x16xf32, #tpu.memory_space<hbm>> -> memref<3328x16xf32, #tpu.memory_space<hbm>>
      %dma_wait3A_429 = arith.constant 0 : i32
      %dma_wait3A_430 = tpu.memref_slice %arg5[%mul3A_2, %dma_wait3A_429] : memref<106496x16xf32, #tpu.memory_space<hbm>> -> memref<3328x16xf32, #tpu.memory_space<hbm>>
      tpu.wait_dma2 semaphore(%run_scoped3A : memref<!tpu.dma_semaphore, #tpu.memory_space<semaphore_mem>>) src(%arg8 : memref<3328x16xf32, #tpu.memory_space<vmem>>) dst(%dma_wait3A_430 : memref<3328x16xf32, #tpu.memory_space<hbm>>)
      tpu.yield
    }) : () -> ()
    return
  }
}

</mosaic_0001>

<sc_bundles>
// kernel: kernel.3.cloned.1.call-start
scs
__scs_entry_jumppad:
0x0: {  	(pc) =	sbr.rel $0x88, $3  }
0x1: {  	(tag) =	ssettag $0x0;
	lr =	simm.s32 $0x1  }
0x2: {  	[smem:$0x3F9F] =	sst lr;
	_ =	strace $0xD0000000  }
0x3: {  	_ = 	snop  }
0x4: {  	_ = 	snop  }
0x5: {  	_ = 	snop  }
0x6: {  	_ = 	snop  }
0x7: {  	_ = 	snop  }
__scs_overlays_trampoline_lowered:
0x8: {  	[smem:$0x3FAE] =	sst s0  }
0x9: {  	[smem:$0x3FAF] =	sst s1  }
0xa: {  	[smem:$0x3FB0] =	sst s2  }
0xb: {  	[smem:$0x3FB1] =	sst s3  }
0xc: {  	[smem:$0x3FB2] =	sst s4  }
0xd: {  	[smem:$0x3FB3] =	sst s5  }
0xe: {  	[smem:$0x3FB4] =	sst s6  }
0xf: {  	[smem:$0x3FB5] =	sst s7  }
0x10: {  	[smem:$0x3FB6] =	sst s8  }
0x11: {  	[smem:$0x3FB7] =	sst s9;
	s0 =	simm.s32 @!p0 $0x0  }
0x12: {  	s1 =	sld [smem:$0x3F9D];
	s0 =	simm.s32 @p0 $0x1  }
0x13: {  	[smem:$0x3FB8] =	sst s0;
	s0 =	simm.s32 @!p1 $0x0  }
0x14: {  	s2 =	sld [smem:$0x3F9C];
	s0 =	simm.s32 @p1 $0x1  }
0x15: {  	[smem:$0x3FB9] =	sst s0;
	s0 =	simm.s32 @!p2 $0x0  }
0x16: {  	s3 =	sld [smem:$0x3FDB];
	s0 =	simm.s32 @p2 $0x1  }
0x17: {  	s4 =	simm.s32 $0x1BF5;
	[smem:$0x3FBB] =	sst s0  }
0x18: {  	s0 =	sld [smem:$0x3F9E];
	_ =	swait.ge [sflag:s4], $0x0  }
0x19: {  	s7 =	sld [smem:$0x3F9F]  }
0x1a: {  	s8 =	sadd.s32 $0xFFFFE003, lr  }
0x1b: {  	s9 =	sadd.s32 $0xFFFFFEF7, lr;
	s5 =	simm.s32 $0xFFFFFFFF;
	p2 =	slt.u32 s8, $0xFFFFF086  }
0x1c: {  	p1 =	slt.u32 s9, $0xF7A;
	s5 =	simm.s32 @!p2 $0x0  }
0x1d: {  	s5 =	simm.s32 @p1 $0x1;
	p0 =	seq.s32 s7, s2  }
0x1e: {  	s7 =	smul.u32 @!p0 $0xF7A, s2;
	p2 =	seq.s32 @!p0 s5, $0x0  }
0x1f: {  	s9 =	smul.u32 $0xF7A, s1;
	s8 =	simm.s32 @!p0 $0x1BF5;
	p2 =	por !p2, p0  }
0x20: {  	[sflag:s8] =	ssyncset.s32 @!p0 $0xFFFFF086;
	s6 =	sadd.s32 @!p0 s3, s7;
	s7 =	simm.s32 @!p0 $0x108  }
0x21: {  	s3 =	sadd.s32 s3, s9;
	s6 =	sadd.s32 @!p0 $0x88, s6;
	s7 =	simm.s32 @p2 $0x1082  }
0x22: {  	[simem:s7], [sflag:s8] =	dma.local @!p0 [hbm:s6], $0xF7A  }
0x23: {  	s9 =	sor.u32 $0xD0000000, s2;
	s6 =	simm.s32 $0x108;
	_ =	swait.ge @!p0 [sflag:s8], $0x0  }
0x24: {  	s3 =	sadd.s32 $0x88, s3;
	s6 =	simm.s32 @!p1 $0x1082;
	[sflag:s4] =	ssyncset.s32 $0xFFFFF086  }
0x25: {  	[simem:s6], [sflag:s4] =	dma.local [hbm:s3], $0xF7A  }
0x26: {  	[smem:$0x3F9F] =	sst s1;
	(tag) =	ssettag s2;
	_ =	strace s9  }
0x27: {  	s1 =	sld [smem:$0x3FAF]  }
0x28: {  	s2 =	sld [smem:$0x3FB0]  }
0x29: {  	s4 =	sld [smem:$0x3FB2]  }
0x2a: {  	p0 =	seq.s32 s5, $0x0;
	s5 =	sld [smem:$0x3FB3]  }
0x2b: {  	s6 =	sld [smem:$0x3FB4]  }
0x2c: {  	s7 =	sld [smem:$0x3FB5]  }
0x2d: {  	s3 =	simm.s32 $0x108;
	s8 =	sld [smem:$0x3FB6]  }
0x2e: {  	s3 =	simm.s32 @!p0 $0x1082;
	s9 =	sld [smem:$0x3FB7]  }
0x2f: {  	lr =	sadd.s32 s0, s3;
	s0 =	sld [smem:$0x3FAE]  }
0x30: {  	s3 =	sld [smem:$0x3FB1]  }
0x31: {  	[smem:$0x3FBA] =	sst s10  }
0x32: {  	s10 =	sld [smem:$0x3FB8];
	_ =	sdelay $0x3  }
0x33: {  	p0 =	seq.s32 s10, $0x1;
	s10 =	sld [smem:$0x3FBA];
	_ =	sdelay $0x3  }
0x34: {  	[smem:$0x3FBA] =	sst s10  }
0x35: {  	s10 =	sld [smem:$0x3FB9];
	_ =	sdelay $0x3  }
0x36: {  	p1 =	seq.s32 s10, $0x1;
	s10 =	sld [smem:$0x3FBA];
	_ =	sdelay $0x3  }
0x37: {  	[smem:$0x3FBA] =	sst s10  }
0x38: {  	s10 =	sld [smem:$0x3FBB]  }
0x39: {  	_ = 	snop;
	(pc) =	sbr.ind lr, $3  }
0x3a: {  	_ = 	snop  }
0x3b: {  	_ = 	snop  }
0x3c: {  	p2 =	seq.s32 s10, $0x1;
	s10 =	sld [smem:$0x3FBA]  }
0x3d: {  	_ =	shalt  }
0x3e: {  	_ =	shalt  }
0x3f: {  	_ =	shalt  }
0x40: {  	_ =	shalt  }
0x41: {  	_ =	shalt  }
0x42: {  	_ =	shalt  }
0x43: {  	_ =	shalt  }
0x44: {  	_ =	shalt  }
0x45: {  	_ =	shalt  }
0x46: {  	_ =	shalt  }
0x47: {  	_ =	shalt  }
0x48: {  	_ =	shalt  }
0x49: {  	_ =	shalt  }
0x4a: {  	_ =	shalt  }
0x4b: {  	_ =	shalt  }
0x4c: {  	_ =	shalt  }
0x4d: {  	_ =	shalt  }
0x4e: {  	_ =	shalt  }
0x4f: {  	_ =	shalt  }
0x50: {  	_ =	shalt  }
0x51: {  	_ =	shalt  }
0x52: {  	_ =	shalt  }
0x53: {  	_ =	shalt  }
0x54: {  	_ =	shalt  }
0x55: {  	_ =	shalt  }
0x56: {  	_ =	shalt  }
0x57: {  	_ =	shalt  }
0x58: {  	_ =	shalt  }
0x59: {  	_ =	shalt  }
0x5a: {  	_ =	shalt  }
0x5b: {  	_ =	shalt  }
0x5c: {  	_ =	shalt  }
0x5d: {  	_ =	shalt  }
0x5e: {  	_ =	shalt  }
0x5f: {  	_ =	shalt  }
0x60: {  	_ =	shalt  }
0x61: {  	_ =	shalt  }
0x62: {  	_ =	shalt  }
0x63: {  	_ =	shalt  }
0x64: {  	_ =	shalt  }
0x65: {  	_ =	shalt  }
0x66: {  	_ =	shalt  }
0x67: {  	_ =	shalt  }
0x68: {  	_ =	shalt  }
0x69: {  	_ =	shalt  }
0x6a: {  	_ =	shalt  }
0x6b: {  	_ =	shalt  }
0x6c: {  	_ =	shalt  }
0x6d: {  	_ =	shalt  }
0x6e: {  	_ =	shalt  }
0x6f: {  	_ =	shalt  }
0x70: {  	_ =	shalt  }
0x71: {  	_ =	shalt  }
0x72: {  	_ =	shalt  }
0x73: {  	_ =	shalt  }
0x74: {  	_ =	shalt  }
0x75: {  	_ =	shalt  }
0x76: {  	_ =	shalt  }
0x77: {  	_ =	shalt  }
0x78: {  	_ =	shalt  }
0x79: {  	_ =	shalt  }
0x7a: {  	_ =	shalt  }
0x7b: {  	_ =	shalt  }
0x7c: {  	_ =	shalt  }
0x7d: {  	_ =	shalt  }
0x7e: {  	_ =	shalt  }
0x7f: {  	_ =	shalt  }
0x80: {  	_ =	shalt  }
0x81: {  	_ =	shalt  }
0x82: {  	_ =	shalt  }
0x83: {  	_ =	shalt  }
0x84: {  	_ =	shalt  }
0x85: {  	_ =	shalt  }
0x86: {  	_ =	shalt  }
0x87: {  	_ =	shalt  }
.Lfunc_end0:
.L_simem_size_0:
called_computation_lowered:
.L_overlay_start_0:
0x88: {  	s2 =	sld [smem:$0x3FD9]  }
0x89: {  	s3 =	sld [smem:$0x3FFE];
	_ =	sdelay $0x1  }
0x8a: {  	s1 =	srdreg.scid  }
0x8b: {  	s0 =	sand.u32 $0x1, s1  }
0x8c: {  	s17 =	sshll.u32 s0, $0xA;
	s2 =	sadd.s32 s3, s2  }
0x8d: {  	s2 =	sadd.s32 s2, s17  }
0x8e: {  	[smem:$0x3FC6] =	sst s2  }
0x8f: {  	_ = 	snop  }
0x90: {  	s2 =	sld [smem:$0x3FD0];
	(tm) =	ssettm $0x1  }
0x91: {  	s18 =	sld [smem:$0x3FFB];
	_ =	sdelay $0x3  }
0x92: {  	_ =	strace s18  }
0x93: {  	s3 =	sld [smem:$0x3FFC];
	_ =	sdelay $0x3  }
0x94: {  	_ =	strace s3  }
0x95: {  	s3 =	sld [smem:$0x3FFD];
	_ =	sdelay $0x3  }
0x96: {  	_ =	strace s3  }
0x97: {  	_ =	strace $0x8FFFFFFF  }
0x98: {  	s19 =	sld [smem:$0x3FDB];
	_ =	sdelay $0x1  }
0x99: {  	s4 =	simm.s32 $_scs_section_size  }
0x9a: {  	s5 =	simm.s32 $_size__tile_overlayer_lowered;
	s6 =	simm.s32 $_tile_overlayer_lowered  }
0x9b: {  	s22 =	simm.s32 $0x1BFF;
	s21 =	sshll.u32 s6, $0x1;
	s3 =	sadd.s32 s4, s19  }
0x9c: {  	s7 =	simm.s32 $0x0;
	s20 =	sshll.u32 s5, $0x1;
	s5 =	sadd.s32 s21, s3  }
0x9d: {  	[timem:s7], [sflag:s22] =	dma.local [hbm:s5], s20  }
0x9e: {  	_ =	swait.ge [sflag:s22], s20  }
0x9f: {  	s4 =	ssub.s32 $0x0, s20;
	[sflag:s22] =	ssyncset.done $0x0  }
0xa0: {  	[sflag:s22] =	ssyncadd.s32 s4;
	_ =	sdelay $0x1  }
0xa1: {  	s23 =	simm.s32 $0x1B8B  }
0xa2: {  	_ =	swait.ge [sflag:s23], $0x1  }
0xa3: {  	[sflag:s23] =	ssyncset.done $0x0  }
0xa4: {  	s25 =	simm.s32 $0x1B8E;
	s24 =	sld [smem:$0x3FFE];
	[sflag:s23] =	ssyncadd.s32 $0xFFFFFFFF  }
0xa5: {  	s26 =	simm.s32 $execute0_lowered;
	[smem:$0x3FD2] =	sst s25  }
0xa6: {  	s5 =	sshll.u32 s26, $0x1;
	_ =	strace $0x80000046;
	[dreg:$0x1] =	wrdreg $0xFFFFFFFF  }
0xa7: {  	s28 =	simm.s32 $_size_execute0_lowered;
	s3 =	sadd.s32 s3, s5;
	[dreg:$0x0] =	wrdreg $0x0  }
0xa8: {  	s5 =	sshll.u32 s28, $0x1;
	[dreg:$0x2] =	wrdreg s3  }
0xa9: {  	[dreg:$0x3] =	wrdreg s5  }
0xaa: {  	[dreg:$0x4] =	wrdreg $0xC0  }
0xab: {  	_ =	task [dreg:s7], $0x5FFFF  }
0xac: {  	[dreg:$0x1] =	wrdreg $0xFFFFFFFF  }
0xad: {  	[dreg:$0x0] =	wrdreg $0x60  }
0xae: {  	[dreg:$0x2] =	wrdreg s24  }
0xaf: {  	[dreg:$0x3] =	wrdreg s2  }
0xb0: {  	[dreg:$0x4] =	wrdreg $0x9  }
0xb1: {  	_ =	task.clear_ibuf [dreg:s7], $0x5FFFF;
	_ =	strace $0x90000046  }
0xb2: {  	s29 =	simm.s32 $0x9;
	_ =	strace $0x80000048  }
0xb3: {  	_ =	swait.ge [sflag:s29], $0x1  }
0xb4: {  	[sflag:s29] =	ssyncadd.s32 $0xFFFFFFFF  }
0xb5: {  	_ =	strace $0x90000048  }
0xb6: {  	_ =	sfence  }
0xb7: {  	s30 =	sld [smem:$0x0];
	_ =	sdelay $0x2  }
0xb8: {  	s31 =	sshll.u32 s1, $0xD;
	s1 =	sshrl.u32 s1, $0x2  }
0xb9: {  	s3 =	sand.u32 $0x4000, s31;
	s1 =	sadd.s32 s1, s30  }
0xba: {  	s0 =	sor.u32 s3, s0;
	s1 =	sshll.u32 s1, $0x11  }
0xbb: {  	s0 =	sor.u32 s1, s0  }
0xbc: {  	s0 =	sadd.s32 $0x8F2B, s0  }
0xbd: {  	[sflag:s0] =	ssyncadd.remote.s32 $0x1  }
0xbe: {  	_ =	sfence.sel $0xFFFF  }
0xbf: {  	[dreg:$0x0] =	wrdreg $0xFFFFFFFF;
	(pc) =	sbr.abs _section_cstart, $3  }
0xc0: {  	[dreg:$0x1] =	wrdreg $0xFFFFFFFF  }
0xc1: {  	_ =	task.clear_ibuf [dreg:s7], $0x2FFFF;
	_ =	strace $0x9FFFFFFF  }
0xc2: {  	(tm) =	ssettm $0x7FFFFFFF  }
0xc3: {  	_ =	shalt  }
tec
execute0_lowered:
.L_overlay_start_1:
0x0: {  	(tag) =	ssettag $0x1  }
0x1: {  	s0 =	srdreg.scid;
	s1 =	rddreg [dreg:$0x0]  }
0x2: {  	s2 =	stileid.u32;
	s6 =	rddreg [dreg:$0x1]  }
0x3: {  	s10 =	simm.s32 $0x80;
	s11 =	simm.s32 $0x1A00;
	s22 =	simm.s32 $0xA200  }
0x4: {  	s23 =	simm.s32 $0x900;
	s24 =	simm.s32 $0xAA00;
	s25 =	simm.s32 $0x980  }
0x5: {  	s26 =	simm.s32 $0xB200;
	s28 =	simm.s32 $0xA00;
	s29 =	simm.s32 $0xBA00  }
0x6: {  	s30 =	simm.s32 $0xA80;
	s31 =	simm.s32 $0xC200;
	s9 =	simm.s32 $0xB80  }
0x7: {  	s12 =	simm.s32 $0xD200;
	s13 =	simm.s32 $0xC00;
	s14 =	simm.s32 $0xDA00  }
0x8: {  	s15 =	simm.s32 $0xC80;
	s0 =	sand.u32 $0x1, s0;
	s2 =	sshll.u32 s2, $0x1  }
0x9: {  	s16 =	simm.s32 $0xE200;
	s17 =	simm.s32 $0x1;
	s4 =	sor.u32 s0, s2  }
0xa: {  	s18 =	simm.s32 $0x0;
	s2 =	simm.s32 $0x0;
	s3 =	smul.u32 $0x1A0, s4  }
0xb: {  	s0 =	ssub.s32 $0x2, s0;
	[smem:$0x7FF] =	sst s2;
	s8 =	smul.u32 $0x1A00, s4  }
0xc: {  	s7 =	sshrl.u32 s0, $0x1;
	s4 =	sadd.s32 $0x27ACC00, s1;
	_ =	strace $0x80000047  }
0xd: {  	s0 =	ssub.s32 s0, s7;
	s5 =	sadd.s32 s3, s1;
	s3 =	sadd.s32 $0x3C00, s1  }
0xe: {  	s6 =	sadd.s32 s6, s8;
	s7 =	smax.u32 s0, $0x1;
	s8 =	simm.s32 $0x2  }
0xf: {  	s1 =	simm.s32 $0xB00;
	s0 =	simm.s32 $0xCA00;
	s5 =	sadd.s32 $0x800, s5  }
.LBB2_1:
0x10: {  	[tilespmem:s2], [sflag:$0x2] =	stream.linear.gather [hbm4b:s5+s2], $0xD00, $0x38;
	[tilespmem:$0xEA00] =	vst v63  }
0x11: {  	_ =	swait.ge [sflag:s8], $0xD00  }
0x12: {  	[sflag:s8] =	ssyncset.done $0x0  }
0x13: {  	s19 =	simm.s32 $0xD00;
	[sflag:s8] =	ssyncadd.s32 $0xFFFFF300  }
0x14: {  	[tilespmem:s19], [sflag:$0x2] =	stream.linear.gather [hbm4b:s3+s2], $0xD00, $0x38;
	[tilespmem:$0xEA00] =	vst v63  }
0x15: {  	_ =	swait.ge [sflag:s8], $0xD00  }
0x16: {  	[sflag:s8] =	ssyncset.done $0x0  }
0x17: {  	s19 =	simm.s32 $0x0;
	[sflag:s8] =	ssyncadd.s32 $0xFFFFF300  }
0x18: {  	s20 =	simm.s32 $0x40;
	v0 =	vld [tilespmem:s19+$0xD00]  }
.LBB2_2:
0x19: {  	p0 =	sne.s32 s20, $0x33C0;
	v1 =	vld [tilespmem:s19+$0x0];
	_ =	sdelay $0x1  }
.Ltmp0:
0x1a: {  	(pc) =	sbr.rel @p0 .LBB2_2-.Ltmp0, $3  }
0x1b: {  	_ =	sdelay $0x1  }
0x1c: {  	s21 =	sshra.s32 s20, $0x2;
	v1 =	vadd.s32 v1, v0  }
0x1d: {  	s20 =	sadd.s32 $0x40, s20;
	v0 =	vld [tilespmem:s21+$0xD00];
	[tilespmem:s19+$0x0] =	vst v1;
	s19 =	smov.u32 s21  }
0x1e: {  	v1 =	vld [tilespmem:s19+$0x0];
	_ =	sdelay $0x4  }
0x1f: {  	v0 =	vadd.s32 v1, v0  }
0x20: {  	[tilespmem:s19+$0x0] =	vst v0  }
0x21: {  	[tilespmem:s11], [sflag:$0x1] =	stream.indirect.gather [hbm4b:s4+s10], $0x10, s2, s10, $0xb8;
	[tilespmem:$0xEA00] =	vst v63  }
0x22: {  	s20 =	simm.s32 $0x2200  }
0x23: {  	[tilespmem:s20], [sflag:$0x1] =	stream.indirect.gather [hbm4b:s4+s10], $0x10, s10, s10, $0xb8;
	[tilespmem:$0xEA00] =	vst v63  }
0x24: {  	s21 =	simm.s32 $0x100;
	s20 =	simm.s32 $0x2A00  }
0x25: {  	[tilespmem:s20], [sflag:$0x1] =	stream.indirect.gather [hbm4b:s4+s10], $0x10, s21, s10, $0xb8;
	[tilespmem:$0xEA00] =	vst v63  }
0x26: {  	s20 =	simm.s32 $0x180;
	s21 =	simm.s32 $0x3200  }
0x27: {  	[tilespmem:s21], [sflag:$0x1] =	stream.indirect.gather [hbm4b:s4+s10], $0x10, s20, s10, $0xb8;
	[tilespmem:$0xEA00] =	vst v63  }
0x28: {  	s20 =	simm.s32 $0x200;
	s21 =	simm.s32 $0x3A00  }
0x29: {  	[tilespmem:s21], [sflag:$0x1] =	stream.indirect.gather [hbm4b:s4+s10], $0x10, s20, s10, $0xb8;
	[tilespmem:$0xEA00] =	vst v63  }
0x2a: {  	s20 =	simm.s32 $0x280;
	s21 =	simm.s32 $0x4200  }
0x2b: {  	[tilespmem:s21], [sflag:$0x1] =	stream.indirect.gather [hbm4b:s4+s10], $0x10, s20, s10, $0xb8;
	[tilespmem:$0xEA00] =	vst v63  }
0x2c: {  	s20 =	simm.s32 $0x300;
	s21 =	simm.s32 $0x4A00  }
0x2d: {  	[tilespmem:s21], [sflag:$0x1] =	stream.indirect.gather [hbm4b:s4+s10], $0x10, s20, s10, $0xb8;
	[tilespmem:$0xEA00] =	vst v63  }
0x2e: {  	s20 =	simm.s32 $0x380;
	s21 =	simm.s32 $0x5200  }
0x2f: {  	[tilespmem:s21], [sflag:$0x1] =	stream.indirect.gather [hbm4b:s4+s10], $0x10, s20, s10, $0xb8;
	[tilespmem:$0xEA00] =	vst v63  }
0x30: {  	s20 =	simm.s32 $0x400;
	s21 =	simm.s32 $0x5A00  }
0x31: {  	[tilespmem:s21], [sflag:$0x1] =	stream.indirect.gather [hbm4b:s4+s10], $0x10, s20, s10, $0xb8;
	[tilespmem:$0xEA00] =	vst v63  }
0x32: {  	s20 =	simm.s32 $0x480;
	s21 =	simm.s32 $0x6200  }
0x33: {  	[tilespmem:s21], [sflag:$0x1] =	stream.indirect.gather [hbm4b:s4+s10], $0x10, s20, s10, $0xb8;
	[tilespmem:$0xEA00] =	vst v63  }
0x34: {  	s20 =	simm.s32 $0x500;
	s21 =	simm.s32 $0x6A00  }
0x35: {  	[tilespmem:s21], [sflag:$0x1] =	stream.indirect.gather [hbm4b:s4+s10], $0x10, s20, s10, $0xb8;
	[tilespmem:$0xEA00] =	vst v63  }
0x36: {  	s20 =	simm.s32 $0x580;
	s21 =	simm.s32 $0x7200  }
0x37: {  	[tilespmem:s21], [sflag:$0x1] =	stream.indirect.gather [hbm4b:s4+s10], $0x10, s20, s10, $0xb8;
	[tilespmem:$0xEA00] =	vst v63  }
0x38: {  	s20 =	simm.s32 $0x600;
	s21 =	simm.s32 $0x7A00  }
0x39: {  	[tilespmem:s21], [sflag:$0x1] =	stream.indirect.gather [hbm4b:s4+s10], $0x10, s20, s10, $0xb8;
	[tilespmem:$0xEA00] =	vst v63  }
0x3a: {  	s20 =	simm.s32 $0x680;
	s21 =	simm.s32 $0x8200  }
0x3b: {  	[tilespmem:s21], [sflag:$0x1] =	stream.indirect.gather [hbm4b:s4+s10], $0x10, s20, s10, $0xb8;
	[tilespmem:$0xEA00] =	vst v63  }
0x3c: {  	s20 =	simm.s32 $0x700;
	s21 =	simm.s32 $0x8A00  }
0x3d: {  	[tilespmem:s21], [sflag:$0x1] =	stream.indirect.gather [hbm4b:s4+s10], $0x10, s20, s10, $0xb8;
	[tilespmem:$0xEA00] =	vst v63  }
0x3e: {  	s20 =	simm.s32 $0x780;
	s21 =	simm.s32 $0x9200  }
0x3f: {  	[tilespmem:s21], [sflag:$0x1] =	stream.indirect.gather [hbm4b:s4+s10], $0x10, s20, s10, $0xb8;
	[tilespmem:$0xEA00] =	vst v63  }
0x40: {  	s20 =	simm.s32 $0x800;
	s21 =	simm.s32 $0x9A00  }
0x41: {  	[tilespmem:s21], [sflag:$0x1] =	stream.indirect.gather [hbm4b:s4+s10], $0x10, s20, s10, $0xb8;
	[tilespmem:$0xEA00] =	vst v63  }
0x42: {  	s21 =	simm.s32 $0x880  }
0x43: {  	[tilespmem:s22], [sflag:$0x1] =	stream.indirect.gather [hbm4b:s4+s10], $0x10, s21, s10, $0xb8;
	[tilespmem:$0xEA00] =	vst v63  }
0x44: {  	_ = 	snop  }
0x45: {  	[tilespmem:s24], [sflag:$0x1] =	stream.indirect.gather [hbm4b:s4+s10], $0x10, s23, s10, $0xb8;
	[tilespmem:$0xEA00] =	vst v63  }
0x46: {  	_ = 	snop  }
0x47: {  	[tilespmem:s26], [sflag:$0x1] =	stream.indirect.gather [hbm4b:s4+s10], $0x10, s25, s10, $0xb8;
	[tilespmem:$0xEA00] =	vst v63  }
0x48: {  	_ = 	snop  }
0x49: {  	[tilespmem:s29], [sflag:$0x1] =	stream.indirect.gather [hbm4b:s4+s10], $0x10, s28, s10, $0xb8;
	[tilespmem:$0xEA00] =	vst v63  }
0x4a: {  	_ = 	snop  }
0x4b: {  	[tilespmem:s31], [sflag:$0x1] =	stream.indirect.gather [hbm4b:s4+s10], $0x10, s30, s10, $0xb8;
	[tilespmem:$0xEA00] =	vst v63  }
0x4c: {  	_ = 	snop  }
0x4d: {  	[tilespmem:s0], [sflag:$0x1] =	stream.indirect.gather [hbm4b:s4+s10], $0x10, s1, s10, $0xb8;
	[tilespmem:$0xEA00] =	vst v63  }
0x4e: {  	_ = 	snop  }
0x4f: {  	[tilespmem:s12], [sflag:$0x1] =	stream.indirect.gather [hbm4b:s4+s10], $0x10, s9, s10, $0xb8;
	[tilespmem:$0xEA00] =	vst v63  }
0x50: {  	_ = 	snop  }
0x51: {  	[tilespmem:s14], [sflag:$0x1] =	stream.indirect.gather [hbm4b:s4+s10], $0x10, s13, s10, $0xb8;
	[tilespmem:$0xEA00] =	vst v63  }
0x52: {  	_ = 	snop  }
0x53: {  	[tilespmem:s16], [sflag:$0x1] =	stream.indirect.gather [hbm4b:s4+s10], $0x10, s15, s10, $0xb8;
	[tilespmem:$0xEA00] =	vst v63  }
0x54: {  	_ =	swait.ge [sflag:s17], $0x800  }
0x55: {  	[sflag:s17] =	ssyncset.done $0x0  }
0x56: {  	[sflag:s17] =	ssyncadd.s32 $0xFFFFF800  }
0x57: {  	_ =	swait.ge [sflag:s17], $0x800  }
0x58: {  	[sflag:s17] =	ssyncset.done $0x0  }
0x59: {  	[sflag:s17] =	ssyncadd.s32 $0xFFFFF800  }
0x5a: {  	_ =	swait.ge [sflag:s17], $0x800  }
0x5b: {  	[sflag:s17] =	ssyncset.done $0x0  }
0x5c: {  	[sflag:s17] =	ssyncadd.s32 $0xFFFFF800  }
0x5d: {  	_ =	swait.ge [sflag:s17], $0x800  }
0x5e: {  	[sflag:s17] =	ssyncset.done $0x0  }
0x5f: {  	[sflag:s17] =	ssyncadd.s32 $0xFFFFF800  }
0x60: {  	_ =	swait.ge [sflag:s17], $0x800  }
0x61: {  	[sflag:s17] =	ssyncset.done $0x0  }
0x62: {  	[sflag:s17] =	ssyncadd.s32 $0xFFFFF800  }
0x63: {  	_ =	swait.ge [sflag:s17], $0x800  }
0x64: {  	[sflag:s17] =	ssyncset.done $0x0  }
0x65: {  	[sflag:s17] =	ssyncadd.s32 $0xFFFFF800  }
0x66: {  	_ =	swait.ge [sflag:s17], $0x800  }
0x67: {  	[sflag:s17] =	ssyncset.done $0x0  }
0x68: {  	[sflag:s17] =	ssyncadd.s32 $0xFFFFF800  }
0x69: {  	_ =	swait.ge [sflag:s17], $0x800  }
0x6a: {  	[sflag:s17] =	ssyncset.done $0x0  }
0x6b: {  	[sflag:s17] =	ssyncadd.s32 $0xFFFFF800  }
0x6c: {  	_ =	swait.ge [sflag:s17], $0x800  }
0x6d: {  	[sflag:s17] =	ssyncset.done $0x0  }
0x6e: {  	[sflag:s17] =	ssyncadd.s32 $0xFFFFF800  }
0x6f: {  	_ =	swait.ge [sflag:s17], $0x800  }
0x70: {  	[sflag:s17] =	ssyncset.done $0x0  }
0x71: {  	[sflag:s17] =	ssyncadd.s32 $0xFFFFF800  }
0x72: {  	_ =	swait.ge [sflag:s17], $0x800  }
0x73: {  	[sflag:s17] =	ssyncset.done $0x0  }
0x74: {  	[sflag:s17] =	ssyncadd.s32 $0xFFFFF800  }
0x75: {  	_ =	swait.ge [sflag:s17], $0x800  }
0x76: {  	[sflag:s17] =	ssyncset.done $0x0  }
0x77: {  	[sflag:s17] =	ssyncadd.s32 $0xFFFFF800  }
0x78: {  	_ =	swait.ge [sflag:s17], $0x800  }
0x79: {  	[sflag:s17] =	ssyncset.done $0x0  }
0x7a: {  	[sflag:s17] =	ssyncadd.s32 $0xFFFFF800  }
0x7b: {  	_ =	swait.ge [sflag:s17], $0x800  }
0x7c: {  	[sflag:s17] =	ssyncset.done $0x0  }
0x7d: {  	[sflag:s17] =	ssyncadd.s32 $0xFFFFF800  }
0x7e: {  	_ =	swait.ge [sflag:s17], $0x800  }
0x7f: {  	[sflag:s17] =	ssyncset.done $0x0  }
0x80: {  	[sflag:s17] =	ssyncadd.s32 $0xFFFFF800  }
0x81: {  	_ =	swait.ge [sflag:s17], $0x800  }
0x82: {  	[sflag:s17] =	ssyncset.done $0x0  }
0x83: {  	[sflag:s17] =	ssyncadd.s32 $0xFFFFF800  }
0x84: {  	_ =	swait.ge [sflag:s17], $0x800  }
0x85: {  	[sflag:s17] =	ssyncset.done $0x0  }
0x86: {  	[sflag:s17] =	ssyncadd.s32 $0xFFFFF800  }
0x87: {  	_ =	swait.ge [sflag:s17], $0x800  }
0x88: {  	[sflag:s17] =	ssyncset.done $0x0  }
0x89: {  	[sflag:s17] =	ssyncadd.s32 $0xFFFFF800  }
0x8a: {  	_ =	swait.ge [sflag:s17], $0x800  }
0x8b: {  	[sflag:s17] =	ssyncset.done $0x0  }
0x8c: {  	[sflag:s17] =	ssyncadd.s32 $0xFFFFF800  }
0x8d: {  	_ =	swait.ge [sflag:s17], $0x800  }
0x8e: {  	[sflag:s17] =	ssyncset.done $0x0  }
0x8f: {  	[sflag:s17] =	ssyncadd.s32 $0xFFFFF800  }
0x90: {  	_ =	swait.ge [sflag:s17], $0x800  }
0x91: {  	[sflag:s17] =	ssyncset.done $0x0  }
0x92: {  	[sflag:s17] =	ssyncadd.s32 $0xFFFFF800  }
0x93: {  	_ =	swait.ge [sflag:s17], $0x800  }
0x94: {  	[sflag:s17] =	ssyncset.done $0x0  }
0x95: {  	[sflag:s17] =	ssyncadd.s32 $0xFFFFF800  }
0x96: {  	_ =	swait.ge [sflag:s17], $0x800  }
0x97: {  	[sflag:s17] =	ssyncset.done $0x0  }
0x98: {  	[sflag:s17] =	ssyncadd.s32 $0xFFFFF800  }
0x99: {  	_ =	swait.ge [sflag:s17], $0x800  }
0x9a: {  	[sflag:s17] =	ssyncset.done $0x0  }
0x9b: {  	[sflag:s17] =	ssyncadd.s32 $0xFFFFF800  }
0x9c: {  	_ =	swait.ge [sflag:s17], $0x800  }
0x9d: {  	[sflag:s17] =	ssyncset.done $0x0  }
0x9e: {  	[sflag:s17] =	ssyncadd.s32 $0xFFFFF800  }
0x9f: {  	s18 =	sadd.s32 $0x1, s18;
	_ =	swait.ge [sflag:s17], $0x800  }
0xa0: {  	p0 =	sne.s32 s18, s7;
	[sflag:s17] =	ssyncset.done $0x0  }
.Ltmp1:
0xa1: {  	[sflag:s17] =	ssyncadd.s32 $0xFFFFF800;
	(pc) =	sbr.rel @p0 .LBB2_1-.Ltmp1, $4  }
0xa2: {  	[hbm4b:s6+s2] =	stream.linear.scatter [tilespmem:s11], [sflag:$0x2], $0xD000, $0x38;
	[tilespmem:$0xEA00] =	vst v63  }
0xa3: {  	_ =	swait.ge [sflag:s8], $0xD000  }
0xa4: {  	[sflag:s8] =	ssyncset.done $0x0  }
0xa5: {  	[sflag:s8] =	ssyncadd.s32 $0xFFFF3000  }
0xa6: {  	_ =	sfence.sel $0x180000  }
0xa7: {  	[bflag:$0x0] =	sbarrier.arrive $0xFFFF  }
0xa8: {  	_ =	strace $0x90000047  }
0xa9: {  	s0 =	stileid.u32;
	[bflag:$0x2] =	sbarrier.arrive $0xFFFF  }
0xaa: {  	p0 =	sne.s32 s0, $0x0;
	s0 =	rddreg [dreg:$0x2]  }
0xab: {  	s0 =	sadd.s32 @!p0 $0x100000, s0  }
0xac: {  	[sflag:s0] =	ssyncadd.tile.s32 @!p0 $0x1;
	_ =	shalt  }
.Lfunc_end2:
_tile_overlayer_lowered:
.L_overlay_start_2:
0xad: {  	(tag) =	ssettag $0x2  }
0xae: {  	s0 =	rddreg [dreg:$0x0];
	s2 =	stileid.u32  }
0xaf: {  	s1 =	rddreg [dreg:$0x1];
	p0 =	sne.s32 s2, $0x0  }
0xb0: {  	s3 =	rddreg [dreg:$0x2];
	[bflag:$0x3] =	sbarrier.arrive $0xFFFF;
	s2 =	simm.s32 @!p0 $0x1C02  }
0xb1: {  	[timem:s3], [sflag:s2] =	dma.local @!p0 [hbm:s0], s1  }
0xb2: {  	s0 =	simm.s32 @!p0 $0x2  }
0xb3: {  	_ =	swait.ge @!p0 [sflag:s0], s1  }
0xb4: {  	s1 =	ssub.s32 @!p0 $0x0, s1;
	[sflag:s0] =	ssyncset.done @!p0 $0x0  }
0xb5: {  	[sflag:s0] =	ssyncadd.s32 @!p0 s1  }
0xb6: {  	[bflag:$0x3] =	sbarrier.arrive $0xFFFF  }
0xb7: {  	_ =	shalt  }

</sc_bundles>
